<compile_context>
chip_gen: v7x
topology: tpu7x:2x2x1
jax: 0.10.2.dev20260603
libtpu: 0.0.44.dev20260713+nightly
codegen_flags: <defaults>
</compile_context>

<pallas_src>
import jax
import jax.numpy as jnp
from jax import lax
from jax.experimental import pallas as pl
from jax.experimental.pallas import tpu as pltpu
from jax.experimental.pallas import tpu_sc as plsc
import functools

VOCAB = 100000
D_CONTEXT = 2048
D_MODEL = 128
B = 64
L = 2048

NC = 2
NS = 16
NW = NC * NS

TOKENS = B * L
PER_W = TOKENS // NW
CHUNK = 64
NCHUNK = PER_W // CHUNK
CPL = L // CHUNK
K = 8

_mesh = plsc.VectorSubcoreMesh(
    core_axis_name="c", subcore_axis_name="s", num_cores=NC, num_subcores=NS
)


@functools.partial(
    pl.kernel,
    out_type=jax.ShapeDtypeStruct((TOKENS, D_MODEL), jnp.float32),
    mesh=_mesh,
    scratch_types=[
        pltpu.VMEM((PER_W,), jnp.int32),
        pltpu.VMEM((K, CHUNK, D_MODEL), jnp.float32),
        pltpu.VMEM_SHARED((D_CONTEXT, D_MODEL), jnp.float32),
        pltpu.SemaphoreType.DMA((K,)),
        pltpu.SemaphoreType.DMA((K,)),
        pltpu.SemaphoreType.DMA((K,)),
    ],
)
def _embed_kernel(x_hbm, tok_hbm, pos_hbm, out_hbm,
                  idx_v, rows_v, pos_sh, isem, gsem, ssem):
    cid = lax.axis_index("c")
    sid = lax.axis_index("s")
    wid = sid * NC + cid
    wbase = wid * PER_W

    prow = sid * (D_CONTEXT // NS)
    pltpu.sync_copy(pos_hbm.at[pl.ds(prow, D_CONTEXT // NS)],
                    pos_sh.at[pl.ds(prow, D_CONTEXT // NS)])

    row = wid * 2
    pltpu.async_copy(x_hbm.at[row], idx_v.at[pl.ds(0, L)], isem.at[0])
    pltpu.async_copy(x_hbm.at[row + 1], idx_v.at[pl.ds(L, L)], isem.at[1])
    pltpu.make_async_copy(x_hbm.at[row], idx_v.at[pl.ds(0, L)],
                          isem.at[0]).wait()
    pltpu.make_async_copy(x_hbm.at[row + 1], idx_v.at[pl.ds(L, L)],
                          isem.at[1]).wait()
    plsc.subcore_barrier()

    @pl.loop(0, NCHUNK, step=K)
    def _(g):
        for b in range(K):
            c = g + b
            l0 = lax.rem(c, CPL) * CHUNK

            @pl.when(g > 0)
            def _():
                pltpu.make_async_copy(
                    rows_v.at[b], out_hbm.at[pl.ds(wbase, CHUNK)],
                    ssem.at[b]).wait()

            pltpu.async_copy(pos_sh.at[pl.ds(l0, CHUNK)], rows_v.at[b],
                             isem.at[b])
        for b in range(K):
            c = g + b
            pltpu.make_async_copy(pos_sh.at[pl.ds(0, CHUNK)], rows_v.at[b],
                                  isem.at[b]).wait()
            pltpu.async_copy(tok_hbm.at[idx_v.at[pl.ds(c * CHUNK, CHUNK)]],
                             rows_v.at[b], gsem.at[b], add=True)
        for b in range(K):
            c = g + b
            base = wbase + c * CHUNK
            pltpu.make_async_copy(
                tok_hbm.at[idx_v.at[pl.ds(c * CHUNK, CHUNK)]], rows_v.at[b],
                gsem.at[b]).wait()
            pltpu.async_copy(rows_v.at[b], out_hbm.at[pl.ds(base, CHUNK)],
                             ssem.at[b])

    for b in range(K):
        pltpu.make_async_copy(rows_v.at[b], out_hbm.at[pl.ds(wbase, CHUNK)],
                              ssem.at[b]).wait()


def kernel(x, token_table, pos_table):
    out = _embed_kernel(x.astype(jnp.int32), token_table, pos_table)
    return out.reshape(B, L, D_MODEL)

# --- scband reference (transcript-rebuilt; emitter-appended) ---
"""Pipeline reference for scband-embedding-layer-77661598646702 (READ-ONLY COPY).

The authoritative reference and input builder live on the scoring server;
editing this copy changes nothing except your own understanding.
"""

import jax, jax.numpy as jnp
import numpy as np

VOCAB = 100000
D_CONTEXT = 2048
D_MODEL = 128
B = 64
L = 2048

def setup_inputs(seed: int = 0) -> dict:
    key = jax.random.key(seed)
    k1, k2, k3 = jax.random.split(key, 3)
    x = jax.random.randint(k1, (B, L), 0, VOCAB, dtype=jnp.int64) if jax.config.jax_enable_x64 else jax.random.randint(k1, (B, L), 0, VOCAB, dtype=jnp.int32)
    token_table = jax.random.normal(k2, (VOCAB, D_MODEL), dtype=jnp.float32)
    pos_table = jax.random.normal(k3, (D_CONTEXT, D_MODEL), dtype=jnp.float32)
    return {"x": x, "token_table": token_table, "pos_table": pos_table}

def reference(x, token_table, pos_table):
    # token embedding lookup: gather rows of the table
    tok = jnp.take(token_table, x, axis=0)          # [B, L, D_MODEL]
    # position embedding: positions = arange(seq_len)
    positions = jnp.arange(x.shape[1])
    pos = jnp.take(pos_table, positions, axis=0)    # [L, D_MODEL]
    return tok + pos[None, :, :]

if __name__ == "__main__":
    import jax
    _d = setup_inputs()
    print(jax.jit(kernel)(*tuple(_d.values())))

</pallas_src>

<mosaic_0001>
#map = affine_map<(d0, d1) -> (0, 0)>
module attributes {stable_mosaic.version = 14 : i64} {
  func.func @_embed_kernel(%arg0: i32, %arg1: i32, %arg2: memref<64x2048xi32, #tpu.memory_space<hbm>>, %arg3: memref<100000x128xf32, #tpu.memory_space<hbm>>, %arg4: memref<2048x128xf32, #tpu.memory_space<hbm>>, %arg5: memref<131072x128xf32, #tpu.memory_space<hbm>>, %arg6: memref<4096xi32, #tpu.memory_space<vmem>>, %arg7: memref<8x64x128xf32, #tpu.memory_space<vmem>>, %arg8: memref<2048x128xf32, #tpu.memory_space<vmem_shared>>, %arg9: memref<8x!tpu.dma_semaphore, #tpu.memory_space<semaphore_mem>>, %arg10: memref<8x!tpu.dma_semaphore, #tpu.memory_space<semaphore_mem>>, %arg11: memref<8x!tpu.dma_semaphore, #tpu.memory_space<semaphore_mem>>) attributes {dimension_semantics = [#tpu.dimension_semantics<core_parallel>, #tpu.dimension_semantics<subcore_parallel>], iteration_bounds = array<i64: 2, 16>, scalar_prefetch = 0 : i64, scratch_operands = 6 : i64, tpu.core_type = #tpu.core_type<sc_vector_subcore>, window_params = [{transform_indices = #map}, {transform_indices = #map}, {transform_indices = #map}, {transform_indices = #map}]} {
    %mul3A = arith.constant 2 : i32
    %mul3A_0 = arith.muli %arg1, %mul3A : i32
    %add3A = arith.addi %mul3A_0, %arg0 : i32
    %mul3A_1 = arith.constant 4096 : i32
    %mul3A_2 = arith.muli %add3A, %mul3A_1 : i32
    %mul3A_3 = arith.constant 128 : i32
    %mul3A_4 = arith.muli %arg1, %mul3A_3 : i32
    "tpu.region"() ({
      %run_scoped3A = tpu.sem_alloc : memref<!tpu.dma_semaphore, #tpu.memory_space<semaphore_mem>>
      %dma_start3A_193 = arith.constant 0 : i32
      %dma_start3A_194 = tpu.memref_slice %arg8[%mul3A_4, %dma_start3A_193] : memref<2048x128xf32, #tpu.memory_space<vmem_shared>> -> memref<128x128xf32, #tpu.memory_space<vmem_shared>>
      %dma_start3A_195 = arith.constant 0 : i32
      %dma_start3A_196 = tpu.memref_slice %arg4[%mul3A_4, %dma_start3A_195] : memref<2048x128xf32, #tpu.memory_space<hbm>> -> memref<128x128xf32, #tpu.memory_space<hbm>>
      tpu.enqueue_dma source(%dma_start3A_196 : memref<128x128xf32, #tpu.memory_space<hbm>>) target(%dma_start3A_194 : memref<128x128xf32, #tpu.memory_space<vmem_shared>>) target_semaphore(%run_scoped3A : memref<!tpu.dma_semaphore, #tpu.memory_space<semaphore_mem>>)
      %dma_wait3A_197 = arith.constant 0 : i32
      %dma_wait3A_198 = tpu.memref_slice %arg8[%mul3A_4, %dma_wait3A_197] : memref<2048x128xf32, #tpu.memory_space<vmem_shared>> -> memref<128x128xf32, #tpu.memory_space<vmem_shared>>
      %dma_wait3A_199 = arith.constant 0 : i32
      %dma_wait3A_200 = tpu.memref_slice %arg4[%mul3A_4, %dma_wait3A_199] : memref<2048x128xf32, #tpu.memory_space<hbm>> -> memref<128x128xf32, #tpu.memory_space<hbm>>
      tpu.wait_dma2 semaphore(%run_scoped3A : memref<!tpu.dma_semaphore, #tpu.memory_space<semaphore_mem>>) src(%dma_wait3A_200 : memref<128x128xf32, #tpu.memory_space<hbm>>) dst(%dma_wait3A_198 : memref<128x128xf32, #tpu.memory_space<vmem_shared>>)
      tpu.yield
    }) : () -> ()
    %mul3A_5 = arith.constant 2 : i32
    %mul3A_6 = arith.muli %add3A, %mul3A_5 : i32
    %dma_start3A = arith.constant 0 : i32
    %dma_start3A_7 = arith.constant 0 : i32
    %dma_start3A_8 = tpu.memref_slice %arg6[%dma_start3A_7] : memref<4096xi32, #tpu.memory_space<vmem>> -> memref<2048xi32, #tpu.memory_space<vmem>>
    %dma_start3A_9 = arith.constant 0 : i32
    %dma_start3A_10 = tpu.memref_slice %arg2[%mul3A_6, %dma_start3A_9] : memref<64x2048xi32, #tpu.memory_space<hbm>> -> memref<1x2048xi32, #tpu.memory_space<hbm>>
    %dma_start3A_11 = tpu.memref_squeeze %dma_start3A_10 : memref<1x2048xi32, #tpu.memory_space<hbm>> -> memref<2048xi32, #tpu.memory_space<hbm>>
    %dma_start3A_12 = tpu.memref_slice %arg9[%dma_start3A] : memref<8x!tpu.dma_semaphore, #tpu.memory_space<semaphore_mem>> -> memref<1x!tpu.dma_semaphore, #tpu.memory_space<semaphore_mem>>
    %dma_start3A_13 = tpu.memref_squeeze %dma_start3A_12 : memref<1x!tpu.dma_semaphore, #tpu.memory_space<semaphore_mem>> -> memref<!tpu.dma_semaphore, #tpu.memory_space<semaphore_mem>>
    %dma_start3A_14 = arith.constant 0 : i32
    %dma_start3A_15 = tpu.memref_slice %arg6[%dma_start3A_14] : memref<4096xi32, #tpu.memory_space<vmem>> -> memref<2048xi32, #tpu.memory_space<vmem>>
    %dma_start3A_16 = arith.constant 0 : i32
    %dma_start3A_17 = tpu.memref_slice %arg2[%mul3A_6, %dma_start3A_16] : memref<64x2048xi32, #tpu.memory_space<hbm>> -> memref<1x2048xi32, #tpu.memory_space<hbm>>
    %dma_start3A_18 = tpu.memref_squeeze %dma_start3A_17 : memref<1x2048xi32, #tpu.memory_space<hbm>> -> memref<2048xi32, #tpu.memory_space<hbm>>
    tpu.enqueue_dma source(%dma_start3A_18 : memref<2048xi32, #tpu.memory_space<hbm>>) target(%dma_start3A_15 : memref<2048xi32, #tpu.memory_space<vmem>>) target_semaphore(%dma_start3A_13 : memref<!tpu.dma_semaphore, #tpu.memory_space<semaphore_mem>>)
    %add3A_19 = arith.constant 1 : i32
    %add3A_20 = arith.addi %mul3A_6, %add3A_19 : i32
    %dma_start3A_21 = arith.constant 1 : i32
    %dma_start3A_22 = arith.constant 2048 : i32
    %dma_start3A_23 = tpu.memref_slice %arg6[%dma_start3A_22] : memref<4096xi32, #tpu.memory_space<vmem>> -> memref<2048xi32, #tpu.memory_space<vmem>>
    %dma_start3A_24 = arith.constant 0 : i32
    %dma_start3A_25 = tpu.memref_slice %arg2[%add3A_20, %dma_start3A_24] : memref<64x2048xi32, #tpu.memory_space<hbm>> -> memref<1x2048xi32, #tpu.memory_space<hbm>>
    %dma_start3A_26 = tpu.memref_squeeze %dma_start3A_25 : memref<1x2048xi32, #tpu.memory_space<hbm>> -> memref<2048xi32, #tpu.memory_space<hbm>>
    %dma_start3A_27 = tpu.memref_slice %arg9[%dma_start3A_21] : memref<8x!tpu.dma_semaphore, #tpu.memory_space<semaphore_mem>> -> memref<1x!tpu.dma_semaphore, #tpu.memory_space<semaphore_mem>>
    %dma_start3A_28 = tpu.memref_squeeze %dma_start3A_27 : memref<1x!tpu.dma_semaphore, #tpu.memory_space<semaphore_mem>> -> memref<!tpu.dma_semaphore, #tpu.memory_space<semaphore_mem>>
    %dma_start3A_29 = arith.constant 2048 : i32
    %dma_start3A_30 = tpu.memref_slice %arg6[%dma_start3A_29] : memref<4096xi32, #tpu.memory_space<vmem>> -> memref<2048xi32, #tpu.memory_space<vmem>>
    %dma_start3A_31 = arith.constant 0 : i32
    %dma_start3A_32 = tpu.memref_slice %arg2[%add3A_20, %dma_start3A_31] : memref<64x2048xi32, #tpu.memory_space<hbm>> -> memref<1x2048xi32, #tpu.memory_space<hbm>>
    %dma_start3A_33 = tpu.memref_squeeze %dma_start3A_32 : memref<1x2048xi32, #tpu.memory_space<hbm>> -> memref<2048xi32, #tpu.memory_space<hbm>>
    tpu.enqueue_dma source(%dma_start3A_33 : memref<2048xi32, #tpu.memory_space<hbm>>) target(%dma_start3A_30 : memref<2048xi32, #tpu.memory_space<vmem>>) target_semaphore(%dma_start3A_28 : memref<!tpu.dma_semaphore, #tpu.memory_space<semaphore_mem>>)
    %dma_wait3A = arith.constant 0 : i32
    %dma_wait3A_34 = arith.constant 0 : i32
    %dma_wait3A_35 = tpu.memref_slice %arg6[%dma_wait3A_34] : memref<4096xi32, #tpu.memory_space<vmem>> -> memref<2048xi32, #tpu.memory_space<vmem>>
    %dma_wait3A_36 = arith.constant 0 : i32
    %dma_wait3A_37 = tpu.memref_slice %arg2[%mul3A_6, %dma_wait3A_36] : memref<64x2048xi32, #tpu.memory_space<hbm>> -> memref<1x2048xi32, #tpu.memory_space<hbm>>
    %dma_wait3A_38 = tpu.memref_squeeze %dma_wait3A_37 : memref<1x2048xi32, #tpu.memory_space<hbm>> -> memref<2048xi32, #tpu.memory_space<hbm>>
    %dma_wait3A_39 = tpu.memref_slice %arg9[%dma_wait3A] : memref<8x!tpu.dma_semaphore, #tpu.memory_space<semaphore_mem>> -> memref<1x!tpu.dma_semaphore, #tpu.memory_space<semaphore_mem>>
    %dma_wait3A_40 = tpu.memref_squeeze %dma_wait3A_39 : memref<1x!tpu.dma_semaphore, #tpu.memory_space<semaphore_mem>> -> memref<!tpu.dma_semaphore, #tpu.memory_space<semaphore_mem>>
    %dma_wait3A_41 = arith.constant 0 : i32
    %dma_wait3A_42 = tpu.memref_slice %arg6[%dma_wait3A_41] : memref<4096xi32, #tpu.memory_space<vmem>> -> memref<2048xi32, #tpu.memory_space<vmem>>
    %dma_wait3A_43 = arith.constant 0 : i32
    %dma_wait3A_44 = tpu.memref_slice %arg2[%mul3A_6, %dma_wait3A_43] : memref<64x2048xi32, #tpu.memory_space<hbm>> -> memref<1x2048xi32, #tpu.memory_space<hbm>>
    %dma_wait3A_45 = tpu.memref_squeeze %dma_wait3A_44 : memref<1x2048xi32, #tpu.memory_space<hbm>> -> memref<2048xi32, #tpu.memory_space<hbm>>
    tpu.wait_dma2 semaphore(%dma_wait3A_40 : memref<!tpu.dma_semaphore, #tpu.memory_space<semaphore_mem>>) src(%dma_wait3A_45 : memref<2048xi32, #tpu.memory_space<hbm>>) dst(%dma_wait3A_42 : memref<2048xi32, #tpu.memory_space<vmem>>)
    %add3A_46 = arith.constant 1 : i32
    %add3A_47 = arith.addi %mul3A_6, %add3A_46 : i32
    %dma_wait3A_48 = arith.constant 1 : i32
    %dma_wait3A_49 = arith.constant 2048 : i32
    %dma_wait3A_50 = tpu.memref_slice %arg6[%dma_wait3A_49] : memref<4096xi32, #tpu.memory_space<vmem>> -> memref<2048xi32, #tpu.memory_space<vmem>>
    %dma_wait3A_51 = arith.constant 0 : i32
    %dma_wait3A_52 = tpu.memref_slice %arg2[%add3A_47, %dma_wait3A_51] : memref<64x2048xi32, #tpu.memory_space<hbm>> -> memref<1x2048xi32, #tpu.memory_space<hbm>>
    %dma_wait3A_53 = tpu.memref_squeeze %dma_wait3A_52 : memref<1x2048xi32, #tpu.memory_space<hbm>> -> memref<2048xi32, #tpu.memory_space<hbm>>
    %dma_wait3A_54 = tpu.memref_slice %arg9[%dma_wait3A_48] : memref<8x!tpu.dma_semaphore, #tpu.memory_space<semaphore_mem>> -> memref<1x!tpu.dma_semaphore, #tpu.memory_space<semaphore_mem>>
    %dma_wait3A_55 = tpu.memref_squeeze %dma_wait3A_54 : memref<1x!tpu.dma_semaphore, #tpu.memory_space<semaphore_mem>> -> memref<!tpu.dma_semaphore, #tpu.memory_space<semaphore_mem>>
    %dma_wait3A_56 = arith.constant 2048 : i32
    %dma_wait3A_57 = tpu.memref_slice %arg6[%dma_wait3A_56] : memref<4096xi32, #tpu.memory_space<vmem>> -> memref<2048xi32, #tpu.memory_space<vmem>>
    %dma_wait3A_58 = arith.constant 0 : i32
    %dma_wait3A_59 = tpu.memref_slice %arg2[%add3A_47, %dma_wait3A_58] : memref<64x2048xi32, #tpu.memory_space<hbm>> -> memref<1x2048xi32, #tpu.memory_space<hbm>>
    %dma_wait3A_60 = tpu.memref_squeeze %dma_wait3A_59 : memref<1x2048xi32, #tpu.memory_space<hbm>> -> memref<2048xi32, #tpu.memory_space<hbm>>
    tpu.wait_dma2 semaphore(%dma_wait3A_55 : memref<!tpu.dma_semaphore, #tpu.memory_space<semaphore_mem>>) src(%dma_wait3A_60 : memref<2048xi32, #tpu.memory_space<hbm>>) dst(%dma_wait3A_57 : memref<2048xi32, #tpu.memory_space<vmem>>)
    %barrier3A = arith.constant 0 : index
    tpu.barrier barrier_id(%barrier3A)
    %scan3A = arith.constant 0 : i32
    %scan3A_61 = arith.constant 8 : i32
    %scan3A_62 = arith.addi %scan3A, %scan3A_61 : i32
    %scan3A_63 = arith.constant 1 : i32
    scf.for %scan3A_193 = %scan3A to %scan3A_62 step %scan3A_63  : i32 {
      %mul3A_194 = arith.constant 8 : i32
      %mul3A_195 = arith.muli %scan3A_193, %mul3A_194 : i32
      %add3A_196 = arith.constant 0 : i32
      %add3A_197 = arith.addi %add3A_196, %mul3A_195 : i32
      %add3A_198 = arith.constant 0 : i32
      %add3A_199 = arith.addi %add3A_197, %add3A_198 : i32
      %rem3A = arith.constant 32 : i32
      %rem3A_200 = arith.remsi %add3A_199, %rem3A : i32
      %mul3A_201 = arith.constant 64 : i32
      %mul3A_202 = arith.muli %rem3A_200, %mul3A_201 : i32
      %gt3A = arith.constant 0 : i32
      %gt3A_203 = arith.cmpi sgt, %add3A_197, %gt3A : i32
      %convert_element_type3A = arith.extui %gt3A_203 : i1 to i32
      %cond3A = arith.constant 0 : i32
      %cond3A_204 = arith.cmpi ne, %convert_element_type3A, %cond3A : i32
      scf.if %cond3A_204 {
        %dma_wait3A_962 = arith.constant 0 : i32
        %dma_wait3A_963 = arith.constant 0 : i32
        %dma_wait3A_964 = arith.constant 0 : i32
        %dma_wait3A_965 = arith.constant 0 : i32
        %dma_wait3A_966 = tpu.memref_slice %arg7[%dma_wait3A_962, %dma_wait3A_964, %dma_wait3A_965] : memref<8x64x128xf32, #tpu.memory_space<vmem>> -> memref<1x64x128xf32, #tpu.memory_space<vmem>>
        %dma_wait3A_967 = tpu.memref_squeeze %dma_wait3A_966 : memref<1x64x128xf32, #tpu.memory_space<vmem>> -> memref<64x128xf32, #tpu.memory_space<vmem>>
        %dma_wait3A_968 = arith.constant 0 : i32
        %dma_wait3A_969 = tpu.memref_slice %arg5[%mul3A_2, %dma_wait3A_968] : memref<131072x128xf32, #tpu.memory_space<hbm>> -> memref<64x128xf32, #tpu.memory_space<hbm>>
        %dma_wait3A_970 = tpu.memref_slice %arg11[%dma_wait3A_963] : memref<8x!tpu.dma_semaphore, #tpu.memory_space<semaphore_mem>> -> memref<1x!tpu.dma_semaphore, #tpu.memory_space<semaphore_mem>>
        %dma_wait3A_971 = tpu.memref_squeeze %dma_wait3A_970 : memref<1x!tpu.dma_semaphore, #tpu.memory_space<semaphore_mem>> -> memref<!tpu.dma_semaphore, #tpu.memory_space<semaphore_mem>>
        %dma_wait3A_972 = arith.constant 0 : i32
        %dma_wait3A_973 = tpu.memref_slice %arg5[%mul3A_2, %dma_wait3A_972] : memref<131072x128xf32, #tpu.memory_space<hbm>> -> memref<64x128xf32, #tpu.memory_space<hbm>>
        %dma_wait3A_974 = arith.constant 0 : i32
        %dma_wait3A_975 = arith.constant 0 : i32
        %dma_wait3A_976 = tpu.memref_slice %arg7[%dma_wait3A_962, %dma_wait3A_974, %dma_wait3A_975] : memref<8x64x128xf32, #tpu.memory_space<vmem>> -> memref<1x64x128xf32, #tpu.memory_space<vmem>>
        %dma_wait3A_977 = tpu.memref_squeeze %dma_wait3A_976 : memref<1x64x128xf32, #tpu.memory_space<vmem>> -> memref<64x128xf32, #tpu.memory_space<vmem>>
        tpu.wait_dma2 semaphore(%dma_wait3A_971 : memref<!tpu.dma_semaphore, #tpu.memory_space<semaphore_mem>>) src(%dma_wait3A_977 : memref<64x128xf32, #tpu.memory_space<vmem>>) dst(%dma_wait3A_973 : memref<64x128xf32, #tpu.memory_space<hbm>>)
      } else {
      }
      %dma_start3A_205 = arith.constant 0 : i32
      %dma_start3A_206 = arith.constant 0 : i32
      %dma_start3A_207 = arith.constant 0 : i32
      %dma_start3A_208 = arith.constant 0 : i32
      %dma_start3A_209 = tpu.memref_slice %arg7[%dma_start3A_205, %dma_start3A_207, %dma_start3A_208] : memref<8x64x128xf32, #tpu.memory_space<vmem>> -> memref<1x64x128xf32, #tpu.memory_space<vmem>>
      %dma_start3A_210 = tpu.memref_squeeze %dma_start3A_209 : memref<1x64x128xf32, #tpu.memory_space<vmem>> -> memref<64x128xf32, #tpu.memory_space<vmem>>
      %dma_start3A_211 = arith.constant 0 : i32
      %dma_start3A_212 = tpu.memref_slice %arg8[%mul3A_202, %dma_start3A_211] : memref<2048x128xf32, #tpu.memory_space<vmem_shared>> -> memref<64x128xf32, #tpu.memory_space<vmem_shared>>
      %dma_start3A_213 = tpu.memref_slice %arg9[%dma_start3A_206] : memref<8x!tpu.dma_semaphore, #tpu.memory_space<semaphore_mem>> -> memref<1x!tpu.dma_semaphore, #tpu.memory_space<semaphore_mem>>
      %dma_start3A_214 = tpu.memref_squeeze %dma_start3A_213 : memref<1x!tpu.dma_semaphore, #tpu.memory_space<semaphore_mem>> -> memref<!tpu.dma_semaphore, #tpu.memory_space<semaphore_mem>>
      %dma_start3A_215 = arith.constant 0 : i32
      %dma_start3A_216 = arith.constant 0 : i32
      %dma_start3A_217 = tpu.memref_slice %arg7[%dma_start3A_205, %dma_start3A_215, %dma_start3A_216] : memref<8x64x128xf32, #tpu.memory_space<vmem>> -> memref<1x64x128xf32, #tpu.memory_space<vmem>>
      %dma_start3A_218 = tpu.memref_squeeze %dma_start3A_217 : memref<1x64x128xf32, #tpu.memory_space<vmem>> -> memref<64x128xf32, #tpu.memory_space<vmem>>
      %dma_start3A_219 = arith.constant 0 : i32
      %dma_start3A_220 = tpu.memref_slice %arg8[%mul3A_202, %dma_start3A_219] : memref<2048x128xf32, #tpu.memory_space<vmem_shared>> -> memref<64x128xf32, #tpu.memory_space<vmem_shared>>
      tpu.enqueue_dma source(%dma_start3A_220 : memref<64x128xf32, #tpu.memory_space<vmem_shared>>) target(%dma_start3A_218 : memref<64x128xf32, #tpu.memory_space<vmem>>) target_semaphore(%dma_start3A_214 : memref<!tpu.dma_semaphore, #tpu.memory_space<semaphore_mem>>)
      %add3A_221 = arith.constant 1 : i32
      %add3A_222 = arith.addi %add3A_197, %add3A_221 : i32
      %rem3A_223 = arith.constant 32 : i32
      %rem3A_224 = arith.remsi %add3A_222, %rem3A_223 : i32
      %mul3A_225 = arith.constant 64 : i32
      %mul3A_226 = arith.muli %rem3A_224, %mul3A_225 : i32
      %gt3A_227 = arith.constant 0 : i32
      %gt3A_228 = arith.cmpi sgt, %add3A_197, %gt3A_227 : i32
      %convert_element_type3A_229 = arith.extui %gt3A_228 : i1 to i32
      %cond3A_230 = arith.constant 0 : i32
      %cond3A_231 = arith.cmpi ne, %convert_element_type3A_229, %cond3A_230 : i32
      scf.if %cond3A_231 {
        %dma_wait3A_962 = arith.constant 1 : i32
        %dma_wait3A_963 = arith.constant 1 : i32
        %dma_wait3A_964 = arith.constant 0 : i32
        %dma_wait3A_965 = arith.constant 0 : i32
        %dma_wait3A_966 = tpu.memref_slice %arg7[%dma_wait3A_962, %dma_wait3A_964, %dma_wait3A_965] : memref<8x64x128xf32, #tpu.memory_space<vmem>> -> memref<1x64x128xf32, #tpu.memory_space<vmem>>
        %dma_wait3A_967 = tpu.memref_squeeze %dma_wait3A_966 : memref<1x64x128xf32, #tpu.memory_space<vmem>> -> memref<64x128xf32, #tpu.memory_space<vmem>>
        %dma_wait3A_968 = arith.constant 0 : i32
        %dma_wait3A_969 = tpu.memref_slice %arg5[%mul3A_2, %dma_wait3A_968] : memref<131072x128xf32, #tpu.memory_space<hbm>> -> memref<64x128xf32, #tpu.memory_space<hbm>>
        %dma_wait3A_970 = tpu.memref_slice %arg11[%dma_wait3A_963] : memref<8x!tpu.dma_semaphore, #tpu.memory_space<semaphore_mem>> -> memref<1x!tpu.dma_semaphore, #tpu.memory_space<semaphore_mem>>
        %dma_wait3A_971 = tpu.memref_squeeze %dma_wait3A_970 : memref<1x!tpu.dma_semaphore, #tpu.memory_space<semaphore_mem>> -> memref<!tpu.dma_semaphore, #tpu.memory_space<semaphore_mem>>
        %dma_wait3A_972 = arith.constant 0 : i32
        %dma_wait3A_973 = tpu.memref_slice %arg5[%mul3A_2, %dma_wait3A_972] : memref<131072x128xf32, #tpu.memory_space<hbm>> -> memref<64x128xf32, #tpu.memory_space<hbm>>
        %dma_wait3A_974 = arith.constant 0 : i32
        %dma_wait3A_975 = arith.constant 0 : i32
        %dma_wait3A_976 = tpu.memref_slice %arg7[%dma_wait3A_962, %dma_wait3A_974, %dma_wait3A_975] : memref<8x64x128xf32, #tpu.memory_space<vmem>> -> memref<1x64x128xf32, #tpu.memory_space<vmem>>
        %dma_wait3A_977 = tpu.memref_squeeze %dma_wait3A_976 : memref<1x64x128xf32, #tpu.memory_space<vmem>> -> memref<64x128xf32, #tpu.memory_space<vmem>>
        tpu.wait_dma2 semaphore(%dma_wait3A_971 : memref<!tpu.dma_semaphore, #tpu.memory_space<semaphore_mem>>) src(%dma_wait3A_977 : memref<64x128xf32, #tpu.memory_space<vmem>>) dst(%dma_wait3A_973 : memref<64x128xf32, #tpu.memory_space<hbm>>)
      } else {
      }
      %dma_start3A_232 = arith.constant 1 : i32
      %dma_start3A_233 = arith.constant 1 : i32
      %dma_start3A_234 = arith.constant 0 : i32
      %dma_start3A_235 = arith.constant 0 : i32
      %dma_start3A_236 = tpu.memref_slice %arg7[%dma_start3A_232, %dma_start3A_234, %dma_start3A_235] : memref<8x64x128xf32, #tpu.memory_space<vmem>> -> memref<1x64x128xf32, #tpu.memory_space<vmem>>
      %dma_start3A_237 = tpu.memref_squeeze %dma_start3A_236 : memref<1x64x128xf32, #tpu.memory_space<vmem>> -> memref<64x128xf32, #tpu.memory_space<vmem>>
      %dma_start3A_238 = arith.constant 0 : i32
      %dma_start3A_239 = tpu.memref_slice %arg8[%mul3A_226, %dma_start3A_238] : memref<2048x128xf32, #tpu.memory_space<vmem_shared>> -> memref<64x128xf32, #tpu.memory_space<vmem_shared>>
      %dma_start3A_240 = tpu.memref_slice %arg9[%dma_start3A_233] : memref<8x!tpu.dma_semaphore, #tpu.memory_space<semaphore_mem>> -> memref<1x!tpu.dma_semaphore, #tpu.memory_space<semaphore_mem>>
      %dma_start3A_241 = tpu.memref_squeeze %dma_start3A_240 : memref<1x!tpu.dma_semaphore, #tpu.memory_space<semaphore_mem>> -> memref<!tpu.dma_semaphore, #tpu.memory_space<semaphore_mem>>
      %dma_start3A_242 = arith.constant 0 : i32
      %dma_start3A_243 = arith.constant 0 : i32
      %dma_start3A_244 = tpu.memref_slice %arg7[%dma_start3A_232, %dma_start3A_242, %dma_start3A_243] : memref<8x64x128xf32, #tpu.memory_space<vmem>> -> memref<1x64x128xf32, #tpu.memory_space<vmem>>
      %dma_start3A_245 = tpu.memref_squeeze %dma_start3A_244 : memref<1x64x128xf32, #tpu.memory_space<vmem>> -> memref<64x128xf32, #tpu.memory_space<vmem>>
      %dma_start3A_246 = arith.constant 0 : i32
      %dma_start3A_247 = tpu.memref_slice %arg8[%mul3A_226, %dma_start3A_246] : memref<2048x128xf32, #tpu.memory_space<vmem_shared>> -> memref<64x128xf32, #tpu.memory_space<vmem_shared>>
      tpu.enqueue_dma source(%dma_start3A_247 : memref<64x128xf32, #tpu.memory_space<vmem_shared>>) target(%dma_start3A_245 : memref<64x128xf32, #tpu.memory_space<vmem>>) target_semaphore(%dma_start3A_241 : memref<!tpu.dma_semaphore, #tpu.memory_space<semaphore_mem>>)
      %add3A_248 = arith.constant 2 : i32
      %add3A_249 = arith.addi %add3A_197, %add3A_248 : i32
      %rem3A_250 = arith.constant 32 : i32
      %rem3A_251 = arith.remsi %add3A_249, %rem3A_250 : i32
      %mul3A_252 = arith.constant 64 : i32
      %mul3A_253 = arith.muli %rem3A_251, %mul3A_252 : i32
      %gt3A_254 = arith.constant 0 : i32
      %gt3A_255 = arith.cmpi sgt, %add3A_197, %gt3A_254 : i32
      %convert_element_type3A_256 = arith.extui %gt3A_255 : i1 to i32
      %cond3A_257 = arith.constant 0 : i32
      %cond3A_258 = arith.cmpi ne, %convert_element_type3A_256, %cond3A_257 : i32
      scf.if %cond3A_258 {
        %dma_wait3A_962 = arith.constant 2 : i32
        %dma_wait3A_963 = arith.constant 2 : i32
        %dma_wait3A_964 = arith.constant 0 : i32
        %dma_wait3A_965 = arith.constant 0 : i32
        %dma_wait3A_966 = tpu.memref_slice %arg7[%dma_wait3A_962, %dma_wait3A_964, %dma_wait3A_965] : memref<8x64x128xf32, #tpu.memory_space<vmem>> -> memref<1x64x128xf32, #tpu.memory_space<vmem>>
        %dma_wait3A_967 = tpu.memref_squeeze %dma_wait3A_966 : memref<1x64x128xf32, #tpu.memory_space<vmem>> -> memref<64x128xf32, #tpu.memory_space<vmem>>
        %dma_wait3A_968 = arith.constant 0 : i32
        %dma_wait3A_969 = tpu.memref_slice %arg5[%mul3A_2, %dma_wait3A_968] : memref<131072x128xf32, #tpu.memory_space<hbm>> -> memref<64x128xf32, #tpu.memory_space<hbm>>
        %dma_wait3A_970 = tpu.memref_slice %arg11[%dma_wait3A_963] : memref<8x!tpu.dma_semaphore, #tpu.memory_space<semaphore_mem>> -> memref<1x!tpu.dma_semaphore, #tpu.memory_space<semaphore_mem>>
        %dma_wait3A_971 = tpu.memref_squeeze %dma_wait3A_970 : memref<1x!tpu.dma_semaphore, #tpu.memory_space<semaphore_mem>> -> memref<!tpu.dma_semaphore, #tpu.memory_space<semaphore_mem>>
        %dma_wait3A_972 = arith.constant 0 : i32
        %dma_wait3A_973 = tpu.memref_slice %arg5[%mul3A_2, %dma_wait3A_972] : memref<131072x128xf32, #tpu.memory_space<hbm>> -> memref<64x128xf32, #tpu.memory_space<hbm>>
        %dma_wait3A_974 = arith.constant 0 : i32
        %dma_wait3A_975 = arith.constant 0 : i32
        %dma_wait3A_976 = tpu.memref_slice %arg7[%dma_wait3A_962, %dma_wait3A_974, %dma_wait3A_975] : memref<8x64x128xf32, #tpu.memory_space<vmem>> -> memref<1x64x128xf32, #tpu.memory_space<vmem>>
        %dma_wait3A_977 = tpu.memref_squeeze %dma_wait3A_976 : memref<1x64x128xf32, #tpu.memory_space<vmem>> -> memref<64x128xf32, #tpu.memory_space<vmem>>
        tpu.wait_dma2 semaphore(%dma_wait3A_971 : memref<!tpu.dma_semaphore, #tpu.memory_space<semaphore_mem>>) src(%dma_wait3A_977 : memref<64x128xf32, #tpu.memory_space<vmem>>) dst(%dma_wait3A_973 : memref<64x128xf32, #tpu.memory_space<hbm>>)
      } else {
      }
      %dma_start3A_259 = arith.constant 2 : i32
      %dma_start3A_260 = arith.constant 2 : i32
      %dma_start3A_261 = arith.constant 0 : i32
      %dma_start3A_262 = arith.constant 0 : i32
      %dma_start3A_263 = tpu.memref_slice %arg7[%dma_start3A_259, %dma_start3A_261, %dma_start3A_262] : memref<8x64x128xf32, #tpu.memory_space<vmem>> -> memref<1x64x128xf32, #tpu.memory_space<vmem>>
      %dma_start3A_264 = tpu.memref_squeeze %dma_start3A_263 : memref<1x64x128xf32, #tpu.memory_space<vmem>> -> memref<64x128xf32, #tpu.memory_space<vmem>>
      %dma_start3A_265 = arith.constant 0 : i32
      %dma_start3A_266 = tpu.memref_slice %arg8[%mul3A_253, %dma_start3A_265] : memref<2048x128xf32, #tpu.memory_space<vmem_shared>> -> memref<64x128xf32, #tpu.memory_space<vmem_shared>>
      %dma_start3A_267 = tpu.memref_slice %arg9[%dma_start3A_260] : memref<8x!tpu.dma_semaphore, #tpu.memory_space<semaphore_mem>> -> memref<1x!tpu.dma_semaphore, #tpu.memory_space<semaphore_mem>>
      %dma_start3A_268 = tpu.memref_squeeze %dma_start3A_267 : memref<1x!tpu.dma_semaphore, #tpu.memory_space<semaphore_mem>> -> memref<!tpu.dma_semaphore, #tpu.memory_space<semaphore_mem>>
      %dma_start3A_269 = arith.constant 0 : i32
      %dma_start3A_270 = arith.constant 0 : i32
      %dma_start3A_271 = tpu.memref_slice %arg7[%dma_start3A_259, %dma_start3A_269, %dma_start3A_270] : memref<8x64x128xf32, #tpu.memory_space<vmem>> -> memref<1x64x128xf32, #tpu.memory_space<vmem>>
      %dma_start3A_272 = tpu.memref_squeeze %dma_start3A_271 : memref<1x64x128xf32, #tpu.memory_space<vmem>> -> memref<64x128xf32, #tpu.memory_space<vmem>>
      %dma_start3A_273 = arith.constant 0 : i32
      %dma_start3A_274 = tpu.memref_slice %arg8[%mul3A_253, %dma_start3A_273] : memref<2048x128xf32, #tpu.memory_space<vmem_shared>> -> memref<64x128xf32, #tpu.memory_space<vmem_shared>>
      tpu.enqueue_dma source(%dma_start3A_274 : memref<64x128xf32, #tpu.memory_space<vmem_shared>>) target(%dma_start3A_272 : memref<64x128xf32, #tpu.memory_space<vmem>>) target_semaphore(%dma_start3A_268 : memref<!tpu.dma_semaphore, #tpu.memory_space<semaphore_mem>>)
      %add3A_275 = arith.constant 3 : i32
      %add3A_276 = arith.addi %add3A_197, %add3A_275 : i32
      %rem3A_277 = arith.constant 32 : i32
      %rem3A_278 = arith.remsi %add3A_276, %rem3A_277 : i32
      %mul3A_279 = arith.constant 64 : i32
      %mul3A_280 = arith.muli %rem3A_278, %mul3A_279 : i32
      %gt3A_281 = arith.constant 0 : i32
      %gt3A_282 = arith.cmpi sgt, %add3A_197, %gt3A_281 : i32
      %convert_element_type3A_283 = arith.extui %gt3A_282 : i1 to i32
      %cond3A_284 = arith.constant 0 : i32
      %cond3A_285 = arith.cmpi ne, %convert_element_type3A_283, %cond3A_284 : i32
      scf.if %cond3A_285 {
        %dma_wait3A_962 = arith.constant 3 : i32
        %dma_wait3A_963 = arith.constant 3 : i32
        %dma_wait3A_964 = arith.constant 0 : i32
        %dma_wait3A_965 = arith.constant 0 : i32
        %dma_wait3A_966 = tpu.memref_slice %arg7[%dma_wait3A_962, %dma_wait3A_964, %dma_wait3A_965] : memref<8x64x128xf32, #tpu.memory_space<vmem>> -> memref<1x64x128xf32, #tpu.memory_space<vmem>>
        %dma_wait3A_967 = tpu.memref_squeeze %dma_wait3A_966 : memref<1x64x128xf32, #tpu.memory_space<vmem>> -> memref<64x128xf32, #tpu.memory_space<vmem>>
        %dma_wait3A_968 = arith.constant 0 : i32
        %dma_wait3A_969 = tpu.memref_slice %arg5[%mul3A_2, %dma_wait3A_968] : memref<131072x128xf32, #tpu.memory_space<hbm>> -> memref<64x128xf32, #tpu.memory_space<hbm>>
        %dma_wait3A_970 = tpu.memref_slice %arg11[%dma_wait3A_963] : memref<8x!tpu.dma_semaphore, #tpu.memory_space<semaphore_mem>> -> memref<1x!tpu.dma_semaphore, #tpu.memory_space<semaphore_mem>>
        %dma_wait3A_971 = tpu.memref_squeeze %dma_wait3A_970 : memref<1x!tpu.dma_semaphore, #tpu.memory_space<semaphore_mem>> -> memref<!tpu.dma_semaphore, #tpu.memory_space<semaphore_mem>>
        %dma_wait3A_972 = arith.constant 0 : i32
        %dma_wait3A_973 = tpu.memref_slice %arg5[%mul3A_2, %dma_wait3A_972] : memref<131072x128xf32, #tpu.memory_space<hbm>> -> memref<64x128xf32, #tpu.memory_space<hbm>>
        %dma_wait3A_974 = arith.constant 0 : i32
        %dma_wait3A_975 = arith.constant 0 : i32
        %dma_wait3A_976 = tpu.memref_slice %arg7[%dma_wait3A_962, %dma_wait3A_974, %dma_wait3A_975] : memref<8x64x128xf32, #tpu.memory_space<vmem>> -> memref<1x64x128xf32, #tpu.memory_space<vmem>>
        %dma_wait3A_977 = tpu.memref_squeeze %dma_wait3A_976 : memref<1x64x128xf32, #tpu.memory_space<vmem>> -> memref<64x128xf32, #tpu.memory_space<vmem>>
        tpu.wait_dma2 semaphore(%dma_wait3A_971 : memref<!tpu.dma_semaphore, #tpu.memory_space<semaphore_mem>>) src(%dma_wait3A_977 : memref<64x128xf32, #tpu.memory_space<vmem>>) dst(%dma_wait3A_973 : memref<64x128xf32, #tpu.memory_space<hbm>>)
      } else {
      }
      %dma_start3A_286 = arith.constant 3 : i32
      %dma_start3A_287 = arith.constant 3 : i32
      %dma_start3A_288 = arith.constant 0 : i32
      %dma_start3A_289 = arith.constant 0 : i32
      %dma_start3A_290 = tpu.memref_slice %arg7[%dma_start3A_286, %dma_start3A_288, %dma_start3A_289] : memref<8x64x128xf32, #tpu.memory_space<vmem>> -> memref<1x64x128xf32, #tpu.memory_space<vmem>>
      %dma_start3A_291 = tpu.memref_squeeze %dma_start3A_290 : memref<1x64x128xf32, #tpu.memory_space<vmem>> -> memref<64x128xf32, #tpu.memory_space<vmem>>
      %dma_start3A_292 = arith.constant 0 : i32
      %dma_start3A_293 = tpu.memref_slice %arg8[%mul3A_280, %dma_start3A_292] : memref<2048x128xf32, #tpu.memory_space<vmem_shared>> -> memref<64x128xf32, #tpu.memory_space<vmem_shared>>
      %dma_start3A_294 = tpu.memref_slice %arg9[%dma_start3A_287] : memref<8x!tpu.dma_semaphore, #tpu.memory_space<semaphore_mem>> -> memref<1x!tpu.dma_semaphore, #tpu.memory_space<semaphore_mem>>
      %dma_start3A_295 = tpu.memref_squeeze %dma_start3A_294 : memref<1x!tpu.dma_semaphore, #tpu.memory_space<semaphore_mem>> -> memref<!tpu.dma_semaphore, #tpu.memory_space<semaphore_mem>>
      %dma_start3A_296 = arith.constant 0 : i32
      %dma_start3A_297 = arith.constant 0 : i32
      %dma_start3A_298 = tpu.memref_slice %arg7[%dma_start3A_286, %dma_start3A_296, %dma_start3A_297] : memref<8x64x128xf32, #tpu.memory_space<vmem>> -> memref<1x64x128xf32, #tpu.memory_space<vmem>>
      %dma_start3A_299 = tpu.memref_squeeze %dma_start3A_298 : memref<1x64x128xf32, #tpu.memory_space<vmem>> -> memref<64x128xf32, #tpu.memory_space<vmem>>
      %dma_start3A_300 = arith.constant 0 : i32
      %dma_start3A_301 = tpu.memref_slice %arg8[%mul3A_280, %dma_start3A_300] : memref<2048x128xf32, #tpu.memory_space<vmem_shared>> -> memref<64x128xf32, #tpu.memory_space<vmem_shared>>
      tpu.enqueue_dma source(%dma_start3A_301 : memref<64x128xf32, #tpu.memory_space<vmem_shared>>) target(%dma_start3A_299 : memref<64x128xf32, #tpu.memory_space<vmem>>) target_semaphore(%dma_start3A_295 : memref<!tpu.dma_semaphore, #tpu.memory_space<semaphore_mem>>)
      %add3A_302 = arith.constant 4 : i32
      %add3A_303 = arith.addi %add3A_197, %add3A_302 : i32
      %rem3A_304 = arith.constant 32 : i32
      %rem3A_305 = arith.remsi %add3A_303, %rem3A_304 : i32
      %mul3A_306 = arith.constant 64 : i32
      %mul3A_307 = arith.muli %rem3A_305, %mul3A_306 : i32
      %gt3A_308 = arith.constant 0 : i32
      %gt3A_309 = arith.cmpi sgt, %add3A_197, %gt3A_308 : i32
      %convert_element_type3A_310 = arith.extui %gt3A_309 : i1 to i32
      %cond3A_311 = arith.constant 0 : i32
      %cond3A_312 = arith.cmpi ne, %convert_element_type3A_310, %cond3A_311 : i32
      scf.if %cond3A_312 {
        %dma_wait3A_962 = arith.constant 4 : i32
        %dma_wait3A_963 = arith.constant 4 : i32
        %dma_wait3A_964 = arith.constant 0 : i32
        %dma_wait3A_965 = arith.constant 0 : i32
        %dma_wait3A_966 = tpu.memref_slice %arg7[%dma_wait3A_962, %dma_wait3A_964, %dma_wait3A_965] : memref<8x64x128xf32, #tpu.memory_space<vmem>> -> memref<1x64x128xf32, #tpu.memory_space<vmem>>
        %dma_wait3A_967 = tpu.memref_squeeze %dma_wait3A_966 : memref<1x64x128xf32, #tpu.memory_space<vmem>> -> memref<64x128xf32, #tpu.memory_space<vmem>>
        %dma_wait3A_968 = arith.constant 0 : i32
        %dma_wait3A_969 = tpu.memref_slice %arg5[%mul3A_2, %dma_wait3A_968] : memref<131072x128xf32, #tpu.memory_space<hbm>> -> memref<64x128xf32, #tpu.memory_space<hbm>>
        %dma_wait3A_970 = tpu.memref_slice %arg11[%dma_wait3A_963] : memref<8x!tpu.dma_semaphore, #tpu.memory_space<semaphore_mem>> -> memref<1x!tpu.dma_semaphore, #tpu.memory_space<semaphore_mem>>
        %dma_wait3A_971 = tpu.memref_squeeze %dma_wait3A_970 : memref<1x!tpu.dma_semaphore, #tpu.memory_space<semaphore_mem>> -> memref<!tpu.dma_semaphore, #tpu.memory_space<semaphore_mem>>
        %dma_wait3A_972 = arith.constant 0 : i32
        %dma_wait3A_973 = tpu.memref_slice %arg5[%mul3A_2, %dma_wait3A_972] : memref<131072x128xf32, #tpu.memory_space<hbm>> -> memref<64x128xf32, #tpu.memory_space<hbm>>
        %dma_wait3A_974 = arith.constant 0 : i32
        %dma_wait3A_975 = arith.constant 0 : i32
        %dma_wait3A_976 = tpu.memref_slice %arg7[%dma_wait3A_962, %dma_wait3A_974, %dma_wait3A_975] : memref<8x64x128xf32, #tpu.memory_space<vmem>> -> memref<1x64x128xf32, #tpu.memory_space<vmem>>
        %dma_wait3A_977 = tpu.memref_squeeze %dma_wait3A_976 : memref<1x64x128xf32, #tpu.memory_space<vmem>> -> memref<64x128xf32, #tpu.memory_space<vmem>>
        tpu.wait_dma2 semaphore(%dma_wait3A_971 : memref<!tpu.dma_semaphore, #tpu.memory_space<semaphore_mem>>) src(%dma_wait3A_977 : memref<64x128xf32, #tpu.memory_space<vmem>>) dst(%dma_wait3A_973 : memref<64x128xf32, #tpu.memory_space<hbm>>)
      } else {
      }
      %dma_start3A_313 = arith.constant 4 : i32
      %dma_start3A_314 = arith.constant 4 : i32
      %dma_start3A_315 = arith.constant 0 : i32
      %dma_start3A_316 = arith.constant 0 : i32
      %dma_start3A_317 = tpu.memref_slice %arg7[%dma_start3A_313, %dma_start3A_315, %dma_start3A_316] : memref<8x64x128xf32, #tpu.memory_space<vmem>> -> memref<1x64x128xf32, #tpu.memory_space<vmem>>
      %dma_start3A_318 = tpu.memref_squeeze %dma_start3A_317 : memref<1x64x128xf32, #tpu.memory_space<vmem>> -> memref<64x128xf32, #tpu.memory_space<vmem>>
      %dma_start3A_319 = arith.constant 0 : i32
      %dma_start3A_320 = tpu.memref_slice %arg8[%mul3A_307, %dma_start3A_319] : memref<2048x128xf32, #tpu.memory_space<vmem_shared>> -> memref<64x128xf32, #tpu.memory_space<vmem_shared>>
      %dma_start3A_321 = tpu.memref_slice %arg9[%dma_start3A_314] : memref<8x!tpu.dma_semaphore, #tpu.memory_space<semaphore_mem>> -> memref<1x!tpu.dma_semaphore, #tpu.memory_space<semaphore_mem>>
      %dma_start3A_322 = tpu.memref_squeeze %dma_start3A_321 : memref<1x!tpu.dma_semaphore, #tpu.memory_space<semaphore_mem>> -> memref<!tpu.dma_semaphore, #tpu.memory_space<semaphore_mem>>
      %dma_start3A_323 = arith.constant 0 : i32
      %dma_start3A_324 = arith.constant 0 : i32
      %dma_start3A_325 = tpu.memref_slice %arg7[%dma_start3A_313, %dma_start3A_323, %dma_start3A_324] : memref<8x64x128xf32, #tpu.memory_space<vmem>> -> memref<1x64x128xf32, #tpu.memory_space<vmem>>
      %dma_start3A_326 = tpu.memref_squeeze %dma_start3A_325 : memref<1x64x128xf32, #tpu.memory_space<vmem>> -> memref<64x128xf32, #tpu.memory_space<vmem>>
      %dma_start3A_327 = arith.constant 0 : i32
      %dma_start3A_328 = tpu.memref_slice %arg8[%mul3A_307, %dma_start3A_327] : memref<2048x128xf32, #tpu.memory_space<vmem_shared>> -> memref<64x128xf32, #tpu.memory_space<vmem_shared>>
      tpu.enqueue_dma source(%dma_start3A_328 : memref<64x128xf32, #tpu.memory_space<vmem_shared>>) target(%dma_start3A_326 : memref<64x128xf32, #tpu.memory_space<vmem>>) target_semaphore(%dma_start3A_322 : memref<!tpu.dma_semaphore, #tpu.memory_space<semaphore_mem>>)
      %add3A_329 = arith.constant 5 : i32
      %add3A_330 = arith.addi %add3A_197, %add3A_329 : i32
      %rem3A_331 = arith.constant 32 : i32
      %rem3A_332 = arith.remsi %add3A_330, %rem3A_331 : i32
      %mul3A_333 = arith.constant 64 : i32
      %mul3A_334 = arith.muli %rem3A_332, %mul3A_333 : i32
      %gt3A_335 = arith.constant 0 : i32
      %gt3A_336 = arith.cmpi sgt, %add3A_197, %gt3A_335 : i32
      %convert_element_type3A_337 = arith.extui %gt3A_336 : i1 to i32
      %cond3A_338 = arith.constant 0 : i32
      %cond3A_339 = arith.cmpi ne, %convert_element_type3A_337, %cond3A_338 : i32
      scf.if %cond3A_339 {
        %dma_wait3A_962 = arith.constant 5 : i32
        %dma_wait3A_963 = arith.constant 5 : i32
        %dma_wait3A_964 = arith.constant 0 : i32
        %dma_wait3A_965 = arith.constant 0 : i32
        %dma_wait3A_966 = tpu.memref_slice %arg7[%dma_wait3A_962, %dma_wait3A_964, %dma_wait3A_965] : memref<8x64x128xf32, #tpu.memory_space<vmem>> -> memref<1x64x128xf32, #tpu.memory_space<vmem>>
        %dma_wait3A_967 = tpu.memref_squeeze %dma_wait3A_966 : memref<1x64x128xf32, #tpu.memory_space<vmem>> -> memref<64x128xf32, #tpu.memory_space<vmem>>
        %dma_wait3A_968 = arith.constant 0 : i32
        %dma_wait3A_969 = tpu.memref_slice %arg5[%mul3A_2, %dma_wait3A_968] : memref<131072x128xf32, #tpu.memory_space<hbm>> -> memref<64x128xf32, #tpu.memory_space<hbm>>
        %dma_wait3A_970 = tpu.memref_slice %arg11[%dma_wait3A_963] : memref<8x!tpu.dma_semaphore, #tpu.memory_space<semaphore_mem>> -> memref<1x!tpu.dma_semaphore, #tpu.memory_space<semaphore_mem>>
        %dma_wait3A_971 = tpu.memref_squeeze %dma_wait3A_970 : memref<1x!tpu.dma_semaphore, #tpu.memory_space<semaphore_mem>> -> memref<!tpu.dma_semaphore, #tpu.memory_space<semaphore_mem>>
        %dma_wait3A_972 = arith.constant 0 : i32
        %dma_wait3A_973 = tpu.memref_slice %arg5[%mul3A_2, %dma_wait3A_972] : memref<131072x128xf32, #tpu.memory_space<hbm>> -> memref<64x128xf32, #tpu.memory_space<hbm>>
        %dma_wait3A_974 = arith.constant 0 : i32
        %dma_wait3A_975 = arith.constant 0 : i32
        %dma_wait3A_976 = tpu.memref_slice %arg7[%dma_wait3A_962, %dma_wait3A_974, %dma_wait3A_975] : memref<8x64x128xf32, #tpu.memory_space<vmem>> -> memref<1x64x128xf32, #tpu.memory_space<vmem>>
        %dma_wait3A_977 = tpu.memref_squeeze %dma_wait3A_976 : memref<1x64x128xf32, #tpu.memory_space<vmem>> -> memref<64x128xf32, #tpu.memory_space<vmem>>
        tpu.wait_dma2 semaphore(%dma_wait3A_971 : memref<!tpu.dma_semaphore, #tpu.memory_space<semaphore_mem>>) src(%dma_wait3A_977 : memref<64x128xf32, #tpu.memory_space<vmem>>) dst(%dma_wait3A_973 : memref<64x128xf32, #tpu.memory_space<hbm>>)
      } else {
      }
      %dma_start3A_340 = arith.constant 5 : i32
      %dma_start3A_341 = arith.constant 5 : i32
      %dma_start3A_342 = arith.constant 0 : i32
      %dma_start3A_343 = arith.constant 0 : i32
      %dma_start3A_344 = tpu.memref_slice %arg7[%dma_start3A_340, %dma_start3A_342, %dma_start3A_343] : memref<8x64x128xf32, #tpu.memory_space<vmem>> -> memref<1x64x128xf32, #tpu.memory_space<vmem>>
      %dma_start3A_345 = tpu.memref_squeeze %dma_start3A_344 : memref<1x64x128xf32, #tpu.memory_space<vmem>> -> memref<64x128xf32, #tpu.memory_space<vmem>>
      %dma_start3A_346 = arith.constant 0 : i32
      %dma_start3A_347 = tpu.memref_slice %arg8[%mul3A_334, %dma_start3A_346] : memref<2048x128xf32, #tpu.memory_space<vmem_shared>> -> memref<64x128xf32, #tpu.memory_space<vmem_shared>>
      %dma_start3A_348 = tpu.memref_slice %arg9[%dma_start3A_341] : memref<8x!tpu.dma_semaphore, #tpu.memory_space<semaphore_mem>> -> memref<1x!tpu.dma_semaphore, #tpu.memory_space<semaphore_mem>>
      %dma_start3A_349 = tpu.memref_squeeze %dma_start3A_348 : memref<1x!tpu.dma_semaphore, #tpu.memory_space<semaphore_mem>> -> memref<!tpu.dma_semaphore, #tpu.memory_space<semaphore_mem>>
      %dma_start3A_350 = arith.constant 0 : i32
      %dma_start3A_351 = arith.constant 0 : i32
      %dma_start3A_352 = tpu.memref_slice %arg7[%dma_start3A_340, %dma_start3A_350, %dma_start3A_351] : memref<8x64x128xf32, #tpu.memory_space<vmem>> -> memref<1x64x128xf32, #tpu.memory_space<vmem>>
      %dma_start3A_353 = tpu.memref_squeeze %dma_start3A_352 : memref<1x64x128xf32, #tpu.memory_space<vmem>> -> memref<64x128xf32, #tpu.memory_space<vmem>>
      %dma_start3A_354 = arith.constant 0 : i32
      %dma_start3A_355 = tpu.memref_slice %arg8[%mul3A_334, %dma_start3A_354] : memref<2048x128xf32, #tpu.memory_space<vmem_shared>> -> memref<64x128xf32, #tpu.memory_space<vmem_shared>>
      tpu.enqueue_dma source(%dma_start3A_355 : memref<64x128xf32, #tpu.memory_space<vmem_shared>>) target(%dma_start3A_353 : memref<64x128xf32, #tpu.memory_space<vmem>>) target_semaphore(%dma_start3A_349 : memref<!tpu.dma_semaphore, #tpu.memory_space<semaphore_mem>>)
      %add3A_356 = arith.constant 6 : i32
      %add3A_357 = arith.addi %add3A_197, %add3A_356 : i32
      %rem3A_358 = arith.constant 32 : i32
      %rem3A_359 = arith.remsi %add3A_357, %rem3A_358 : i32
      %mul3A_360 = arith.constant 64 : i32
      %mul3A_361 = arith.muli %rem3A_359, %mul3A_360 : i32
      %gt3A_362 = arith.constant 0 : i32
      %gt3A_363 = arith.cmpi sgt, %add3A_197, %gt3A_362 : i32
      %convert_element_type3A_364 = arith.extui %gt3A_363 : i1 to i32
      %cond3A_365 = arith.constant 0 : i32
      %cond3A_366 = arith.cmpi ne, %convert_element_type3A_364, %cond3A_365 : i32
      scf.if %cond3A_366 {
        %dma_wait3A_962 = arith.constant 6 : i32
        %dma_wait3A_963 = arith.constant 6 : i32
        %dma_wait3A_964 = arith.constant 0 : i32
        %dma_wait3A_965 = arith.constant 0 : i32
        %dma_wait3A_966 = tpu.memref_slice %arg7[%dma_wait3A_962, %dma_wait3A_964, %dma_wait3A_965] : memref<8x64x128xf32, #tpu.memory_space<vmem>> -> memref<1x64x128xf32, #tpu.memory_space<vmem>>
        %dma_wait3A_967 = tpu.memref_squeeze %dma_wait3A_966 : memref<1x64x128xf32, #tpu.memory_space<vmem>> -> memref<64x128xf32, #tpu.memory_space<vmem>>
        %dma_wait3A_968 = arith.constant 0 : i32
        %dma_wait3A_969 = tpu.memref_slice %arg5[%mul3A_2, %dma_wait3A_968] : memref<131072x128xf32, #tpu.memory_space<hbm>> -> memref<64x128xf32, #tpu.memory_space<hbm>>
        %dma_wait3A_970 = tpu.memref_slice %arg11[%dma_wait3A_963] : memref<8x!tpu.dma_semaphore, #tpu.memory_space<semaphore_mem>> -> memref<1x!tpu.dma_semaphore, #tpu.memory_space<semaphore_mem>>
        %dma_wait3A_971 = tpu.memref_squeeze %dma_wait3A_970 : memref<1x!tpu.dma_semaphore, #tpu.memory_space<semaphore_mem>> -> memref<!tpu.dma_semaphore, #tpu.memory_space<semaphore_mem>>
        %dma_wait3A_972 = arith.constant 0 : i32
        %dma_wait3A_973 = tpu.memref_slice %arg5[%mul3A_2, %dma_wait3A_972] : memref<131072x128xf32, #tpu.memory_space<hbm>> -> memref<64x128xf32, #tpu.memory_space<hbm>>
        %dma_wait3A_974 = arith.constant 0 : i32
        %dma_wait3A_975 = arith.constant 0 : i32
        %dma_wait3A_976 = tpu.memref_slice %arg7[%dma_wait3A_962, %dma_wait3A_974, %dma_wait3A_975] : memref<8x64x128xf32, #tpu.memory_space<vmem>> -> memref<1x64x128xf32, #tpu.memory_space<vmem>>
        %dma_wait3A_977 = tpu.memref_squeeze %dma_wait3A_976 : memref<1x64x128xf32, #tpu.memory_space<vmem>> -> memref<64x128xf32, #tpu.memory_space<vmem>>
        tpu.wait_dma2 semaphore(%dma_wait3A_971 : memref<!tpu.dma_semaphore, #tpu.memory_space<semaphore_mem>>) src(%dma_wait3A_977 : memref<64x128xf32, #tpu.memory_space<vmem>>) dst(%dma_wait3A_973 : memref<64x128xf32, #tpu.memory_space<hbm>>)
      } else {
      }
      %dma_start3A_367 = arith.constant 6 : i32
      %dma_start3A_368 = arith.constant 6 : i32
      %dma_start3A_369 = arith.constant 0 : i32
      %dma_start3A_370 = arith.constant 0 : i32
      %dma_start3A_371 = tpu.memref_slice %arg7[%dma_start3A_367, %dma_start3A_369, %dma_start3A_370] : memref<8x64x128xf32, #tpu.memory_space<vmem>> -> memref<1x64x128xf32, #tpu.memory_space<vmem>>
      %dma_start3A_372 = tpu.memref_squeeze %dma_start3A_371 : memref<1x64x128xf32, #tpu.memory_space<vmem>> -> memref<64x128xf32, #tpu.memory_space<vmem>>
      %dma_start3A_373 = arith.constant 0 : i32
      %dma_start3A_374 = tpu.memref_slice %arg8[%mul3A_361, %dma_start3A_373] : memref<2048x128xf32, #tpu.memory_space<vmem_shared>> -> memref<64x128xf32, #tpu.memory_space<vmem_shared>>
      %dma_start3A_375 = tpu.memref_slice %arg9[%dma_start3A_368] : memref<8x!tpu.dma_semaphore, #tpu.memory_space<semaphore_mem>> -> memref<1x!tpu.dma_semaphore, #tpu.memory_space<semaphore_mem>>
      %dma_start3A_376 = tpu.memref_squeeze %dma_start3A_375 : memref<1x!tpu.dma_semaphore, #tpu.memory_space<semaphore_mem>> -> memref<!tpu.dma_semaphore, #tpu.memory_space<semaphore_mem>>
      %dma_start3A_377 = arith.constant 0 : i32
      %dma_start3A_378 = arith.constant 0 : i32
      %dma_start3A_379 = tpu.memref_slice %arg7[%dma_start3A_367, %dma_start3A_377, %dma_start3A_378] : memref<8x64x128xf32, #tpu.memory_space<vmem>> -> memref<1x64x128xf32, #tpu.memory_space<vmem>>
      %dma_start3A_380 = tpu.memref_squeeze %dma_start3A_379 : memref<1x64x128xf32, #tpu.memory_space<vmem>> -> memref<64x128xf32, #tpu.memory_space<vmem>>
      %dma_start3A_381 = arith.constant 0 : i32
      %dma_start3A_382 = tpu.memref_slice %arg8[%mul3A_361, %dma_start3A_381] : memref<2048x128xf32, #tpu.memory_space<vmem_shared>> -> memref<64x128xf32, #tpu.memory_space<vmem_shared>>
      tpu.enqueue_dma source(%dma_start3A_382 : memref<64x128xf32, #tpu.memory_space<vmem_shared>>) target(%dma_start3A_380 : memref<64x128xf32, #tpu.memory_space<vmem>>) target_semaphore(%dma_start3A_376 : memref<!tpu.dma_semaphore, #tpu.memory_space<semaphore_mem>>)
      %add3A_383 = arith.constant 7 : i32
      %add3A_384 = arith.addi %add3A_197, %add3A_383 : i32
      %rem3A_385 = arith.constant 32 : i32
      %rem3A_386 = arith.remsi %add3A_384, %rem3A_385 : i32
      %mul3A_387 = arith.constant 64 : i32
      %mul3A_388 = arith.muli %rem3A_386, %mul3A_387 : i32
      %gt3A_389 = arith.constant 0 : i32
      %gt3A_390 = arith.cmpi sgt, %add3A_197, %gt3A_389 : i32
      %convert_element_type3A_391 = arith.extui %gt3A_390 : i1 to i32
      %cond3A_392 = arith.constant 0 : i32
      %cond3A_393 = arith.cmpi ne, %convert_element_type3A_391, %cond3A_392 : i32
      scf.if %cond3A_393 {
        %dma_wait3A_962 = arith.constant 7 : i32
        %dma_wait3A_963 = arith.constant 7 : i32
        %dma_wait3A_964 = arith.constant 0 : i32
        %dma_wait3A_965 = arith.constant 0 : i32
        %dma_wait3A_966 = tpu.memref_slice %arg7[%dma_wait3A_962, %dma_wait3A_964, %dma_wait3A_965] : memref<8x64x128xf32, #tpu.memory_space<vmem>> -> memref<1x64x128xf32, #tpu.memory_space<vmem>>
        %dma_wait3A_967 = tpu.memref_squeeze %dma_wait3A_966 : memref<1x64x128xf32, #tpu.memory_space<vmem>> -> memref<64x128xf32, #tpu.memory_space<vmem>>
        %dma_wait3A_968 = arith.constant 0 : i32
        %dma_wait3A_969 = tpu.memref_slice %arg5[%mul3A_2, %dma_wait3A_968] : memref<131072x128xf32, #tpu.memory_space<hbm>> -> memref<64x128xf32, #tpu.memory_space<hbm>>
        %dma_wait3A_970 = tpu.memref_slice %arg11[%dma_wait3A_963] : memref<8x!tpu.dma_semaphore, #tpu.memory_space<semaphore_mem>> -> memref<1x!tpu.dma_semaphore, #tpu.memory_space<semaphore_mem>>
        %dma_wait3A_971 = tpu.memref_squeeze %dma_wait3A_970 : memref<1x!tpu.dma_semaphore, #tpu.memory_space<semaphore_mem>> -> memref<!tpu.dma_semaphore, #tpu.memory_space<semaphore_mem>>
        %dma_wait3A_972 = arith.constant 0 : i32
        %dma_wait3A_973 = tpu.memref_slice %arg5[%mul3A_2, %dma_wait3A_972] : memref<131072x128xf32, #tpu.memory_space<hbm>> -> memref<64x128xf32, #tpu.memory_space<hbm>>
        %dma_wait3A_974 = arith.constant 0 : i32
        %dma_wait3A_975 = arith.constant 0 : i32
        %dma_wait3A_976 = tpu.memref_slice %arg7[%dma_wait3A_962, %dma_wait3A_974, %dma_wait3A_975] : memref<8x64x128xf32, #tpu.memory_space<vmem>> -> memref<1x64x128xf32, #tpu.memory_space<vmem>>
        %dma_wait3A_977 = tpu.memref_squeeze %dma_wait3A_976 : memref<1x64x128xf32, #tpu.memory_space<vmem>> -> memref<64x128xf32, #tpu.memory_space<vmem>>
        tpu.wait_dma2 semaphore(%dma_wait3A_971 : memref<!tpu.dma_semaphore, #tpu.memory_space<semaphore_mem>>) src(%dma_wait3A_977 : memref<64x128xf32, #tpu.memory_space<vmem>>) dst(%dma_wait3A_973 : memref<64x128xf32, #tpu.memory_space<hbm>>)
      } else {
      }
      %dma_start3A_394 = arith.constant 7 : i32
      %dma_start3A_395 = arith.constant 7 : i32
      %dma_start3A_396 = arith.constant 0 : i32
      %dma_start3A_397 = arith.constant 0 : i32
      %dma_start3A_398 = tpu.memref_slice %arg7[%dma_start3A_394, %dma_start3A_396, %dma_start3A_397] : memref<8x64x128xf32, #tpu.memory_space<vmem>> -> memref<1x64x128xf32, #tpu.memory_space<vmem>>
      %dma_start3A_399 = tpu.memref_squeeze %dma_start3A_398 : memref<1x64x128xf32, #tpu.memory_space<vmem>> -> memref<64x128xf32, #tpu.memory_space<vmem>>
      %dma_start3A_400 = arith.constant 0 : i32
      %dma_start3A_401 = tpu.memref_slice %arg8[%mul3A_388, %dma_start3A_400] : memref<2048x128xf32, #tpu.memory_space<vmem_shared>> -> memref<64x128xf32, #tpu.memory_space<vmem_shared>>
      %dma_start3A_402 = tpu.memref_slice %arg9[%dma_start3A_395] : memref<8x!tpu.dma_semaphore, #tpu.memory_space<semaphore_mem>> -> memref<1x!tpu.dma_semaphore, #tpu.memory_space<semaphore_mem>>
      %dma_start3A_403 = tpu.memref_squeeze %dma_start3A_402 : memref<1x!tpu.dma_semaphore, #tpu.memory_space<semaphore_mem>> -> memref<!tpu.dma_semaphore, #tpu.memory_space<semaphore_mem>>
      %dma_start3A_404 = arith.constant 0 : i32
      %dma_start3A_405 = arith.constant 0 : i32
      %dma_start3A_406 = tpu.memref_slice %arg7[%dma_start3A_394, %dma_start3A_404, %dma_start3A_405] : memref<8x64x128xf32, #tpu.memory_space<vmem>> -> memref<1x64x128xf32, #tpu.memory_space<vmem>>
      %dma_start3A_407 = tpu.memref_squeeze %dma_start3A_406 : memref<1x64x128xf32, #tpu.memory_space<vmem>> -> memref<64x128xf32, #tpu.memory_space<vmem>>
      %dma_start3A_408 = arith.constant 0 : i32
      %dma_start3A_409 = tpu.memref_slice %arg8[%mul3A_388, %dma_start3A_408] : memref<2048x128xf32, #tpu.memory_space<vmem_shared>> -> memref<64x128xf32, #tpu.memory_space<vmem_shared>>
      tpu.enqueue_dma source(%dma_start3A_409 : memref<64x128xf32, #tpu.memory_space<vmem_shared>>) target(%dma_start3A_407 : memref<64x128xf32, #tpu.memory_space<vmem>>) target_semaphore(%dma_start3A_403 : memref<!tpu.dma_semaphore, #tpu.memory_space<semaphore_mem>>)
      %add3A_410 = arith.constant 0 : i32
      %add3A_411 = arith.addi %add3A_197, %add3A_410 : i32
      %dma_wait3A_412 = arith.constant 0 : i32
      %dma_wait3A_413 = arith.constant 0 : i32
      %dma_wait3A_414 = arith.constant 0 : i32
      %dma_wait3A_415 = arith.constant 0 : i32
      %dma_wait3A_416 = tpu.memref_slice %arg7[%dma_wait3A_412, %dma_wait3A_414, %dma_wait3A_415] : memref<8x64x128xf32, #tpu.memory_space<vmem>> -> memref<1x64x128xf32, #tpu.memory_space<vmem>>
      %dma_wait3A_417 = tpu.memref_squeeze %dma_wait3A_416 : memref<1x64x128xf32, #tpu.memory_space<vmem>> -> memref<64x128xf32, #tpu.memory_space<vmem>>
      %dma_wait3A_418 = arith.constant 0 : i32
      %dma_wait3A_419 = arith.constant 0 : i32
      %dma_wait3A_420 = tpu.memref_slice %arg8[%dma_wait3A_418, %dma_wait3A_419] : memref<2048x128xf32, #tpu.memory_space<vmem_shared>> -> memref<64x128xf32, #tpu.memory_space<vmem_shared>>
      %dma_wait3A_421 = tpu.memref_slice %arg9[%dma_wait3A_413] : memref<8x!tpu.dma_semaphore, #tpu.memory_space<semaphore_mem>> -> memref<1x!tpu.dma_semaphore, #tpu.memory_space<semaphore_mem>>
      %dma_wait3A_422 = tpu.memref_squeeze %dma_wait3A_421 : memref<1x!tpu.dma_semaphore, #tpu.memory_space<semaphore_mem>> -> memref<!tpu.dma_semaphore, #tpu.memory_space<semaphore_mem>>
      %dma_wait3A_423 = arith.constant 0 : i32
      %dma_wait3A_424 = arith.constant 0 : i32
      %dma_wait3A_425 = tpu.memref_slice %arg7[%dma_wait3A_412, %dma_wait3A_423, %dma_wait3A_424] : memref<8x64x128xf32, #tpu.memory_space<vmem>> -> memref<1x64x128xf32, #tpu.memory_space<vmem>>
      %dma_wait3A_426 = tpu.memref_squeeze %dma_wait3A_425 : memref<1x64x128xf32, #tpu.memory_space<vmem>> -> memref<64x128xf32, #tpu.memory_space<vmem>>
      %dma_wait3A_427 = arith.constant 0 : i32
      %dma_wait3A_428 = arith.constant 0 : i32
      %dma_wait3A_429 = tpu.memref_slice %arg8[%dma_wait3A_427, %dma_wait3A_428] : memref<2048x128xf32, #tpu.memory_space<vmem_shared>> -> memref<64x128xf32, #tpu.memory_space<vmem_shared>>
      tpu.wait_dma2 semaphore(%dma_wait3A_422 : memref<!tpu.dma_semaphore, #tpu.memory_space<semaphore_mem>>) src(%dma_wait3A_429 : memref<64x128xf32, #tpu.memory_space<vmem_shared>>) dst(%dma_wait3A_426 : memref<64x128xf32, #tpu.memory_space<vmem>>)
      %mul3A_430 = arith.constant 64 : i32
      %mul3A_431 = arith.muli %add3A_411, %mul3A_430 : i32
      %dma_start3A_432 = arith.constant 0 : i32
      %dma_start3A_433 = arith.constant 0 : i32
      %dma_start3A_434 = arith.constant 0 : i32
      %dma_start3A_435 = arith.constant 0 : i32
      %dma_start3A_436 = tpu.memref_slice %arg7[%dma_start3A_432, %dma_start3A_434, %dma_start3A_435] : memref<8x64x128xf32, #tpu.memory_space<vmem>> -> memref<1x64x128xf32, #tpu.memory_space<vmem>>
      %dma_start3A_437 = tpu.memref_squeeze %dma_start3A_436 : memref<1x64x128xf32, #tpu.memory_space<vmem>> -> memref<64x128xf32, #tpu.memory_space<vmem>>
      %dma_start3A_438 = tpu.memref_slice %arg6[%mul3A_431] : memref<4096xi32, #tpu.memory_space<vmem>> -> memref<64xi32, #tpu.memory_space<vmem>>
      %dma_start3A_439 = arith.constant 0 : i32
      %dma_start3A_440 = arith.constant 0 : i32
      %dma_start3A_441 = tpu.memref_slice %arg3[%dma_start3A_439, %dma_start3A_440] : memref<100000x128xf32, #tpu.memory_space<hbm>> -> memref<100000x128xf32, #tpu.memory_space<hbm>>
      %dma_start3A_442 = tpu.memref_slice %arg10[%dma_start3A_433] : memref<8x!tpu.dma_semaphore, #tpu.memory_space<semaphore_mem>> -> memref<1x!tpu.dma_semaphore, #tpu.memory_space<semaphore_mem>>
      %dma_start3A_443 = tpu.memref_squeeze %dma_start3A_442 : memref<1x!tpu.dma_semaphore, #tpu.memory_space<semaphore_mem>> -> memref<!tpu.dma_semaphore, #tpu.memory_space<semaphore_mem>>
      tpu.enqueue_indirect_dma source(%dma_start3A_441 : memref<100000x128xf32, #tpu.memory_space<hbm>>) target(%dma_start3A_437 : memref<64x128xf32, #tpu.memory_space<vmem>>) offsets(%dma_start3A_438 : memref<64xi32, #tpu.memory_space<vmem>>) semaphore(%dma_start3A_443 : memref<!tpu.dma_semaphore, #tpu.memory_space<semaphore_mem>>) {add = true}
      %add3A_444 = arith.constant 1 : i32
      %add3A_445 = arith.addi %add3A_197, %add3A_444 : i32
      %dma_wait3A_446 = arith.constant 1 : i32
      %dma_wait3A_447 = arith.constant 1 : i32
      %dma_wait3A_448 = arith.constant 0 : i32
      %dma_wait3A_449 = arith.constant 0 : i32
      %dma_wait3A_450 = tpu.memref_slice %arg7[%dma_wait3A_446, %dma_wait3A_448, %dma_wait3A_449] : memref<8x64x128xf32, #tpu.memory_space<vmem>> -> memref<1x64x128xf32, #tpu.memory_space<vmem>>
      %dma_wait3A_451 = tpu.memref_squeeze %dma_wait3A_450 : memref<1x64x128xf32, #tpu.memory_space<vmem>> -> memref<64x128xf32, #tpu.memory_space<vmem>>
      %dma_wait3A_452 = arith.constant 0 : i32
      %dma_wait3A_453 = arith.constant 0 : i32
      %dma_wait3A_454 = tpu.memref_slice %arg8[%dma_wait3A_452, %dma_wait3A_453] : memref<2048x128xf32, #tpu.memory_space<vmem_shared>> -> memref<64x128xf32, #tpu.memory_space<vmem_shared>>
      %dma_wait3A_455 = tpu.memref_slice %arg9[%dma_wait3A_447] : memref<8x!tpu.dma_semaphore, #tpu.memory_space<semaphore_mem>> -> memref<1x!tpu.dma_semaphore, #tpu.memory_space<semaphore_mem>>
      %dma_wait3A_456 = tpu.memref_squeeze %dma_wait3A_455 : memref<1x!tpu.dma_semaphore, #tpu.memory_space<semaphore_mem>> -> memref<!tpu.dma_semaphore, #tpu.memory_space<semaphore_mem>>
      %dma_wait3A_457 = arith.constant 0 : i32
      %dma_wait3A_458 = arith.constant 0 : i32
      %dma_wait3A_459 = tpu.memref_slice %arg7[%dma_wait3A_446, %dma_wait3A_457, %dma_wait3A_458] : memref<8x64x128xf32, #tpu.memory_space<vmem>> -> memref<1x64x128xf32, #tpu.memory_space<vmem>>
      %dma_wait3A_460 = tpu.memref_squeeze %dma_wait3A_459 : memref<1x64x128xf32, #tpu.memory_space<vmem>> -> memref<64x128xf32, #tpu.memory_space<vmem>>
      %dma_wait3A_461 = arith.constant 0 : i32
      %dma_wait3A_462 = arith.constant 0 : i32
      %dma_wait3A_463 = tpu.memref_slice %arg8[%dma_wait3A_461, %dma_wait3A_462] : memref<2048x128xf32, #tpu.memory_space<vmem_shared>> -> memref<64x128xf32, #tpu.memory_space<vmem_shared>>
      tpu.wait_dma2 semaphore(%dma_wait3A_456 : memref<!tpu.dma_semaphore, #tpu.memory_space<semaphore_mem>>) src(%dma_wait3A_463 : memref<64x128xf32, #tpu.memory_space<vmem_shared>>) dst(%dma_wait3A_460 : memref<64x128xf32, #tpu.memory_space<vmem>>)
      %mul3A_464 = arith.constant 64 : i32
      %mul3A_465 = arith.muli %add3A_445, %mul3A_464 : i32
      %dma_start3A_466 = arith.constant 1 : i32
      %dma_start3A_467 = arith.constant 1 : i32
      %dma_start3A_468 = arith.constant 0 : i32
      %dma_start3A_469 = arith.constant 0 : i32
      %dma_start3A_470 = tpu.memref_slice %arg7[%dma_start3A_466, %dma_start3A_468, %dma_start3A_469] : memref<8x64x128xf32, #tpu.memory_space<vmem>> -> memref<1x64x128xf32, #tpu.memory_space<vmem>>
      %dma_start3A_471 = tpu.memref_squeeze %dma_start3A_470 : memref<1x64x128xf32, #tpu.memory_space<vmem>> -> memref<64x128xf32, #tpu.memory_space<vmem>>
      %dma_start3A_472 = tpu.memref_slice %arg6[%mul3A_465] : memref<4096xi32, #tpu.memory_space<vmem>> -> memref<64xi32, #tpu.memory_space<vmem>>
      %dma_start3A_473 = arith.constant 0 : i32
      %dma_start3A_474 = arith.constant 0 : i32
      %dma_start3A_475 = tpu.memref_slice %arg3[%dma_start3A_473, %dma_start3A_474] : memref<100000x128xf32, #tpu.memory_space<hbm>> -> memref<100000x128xf32, #tpu.memory_space<hbm>>
      %dma_start3A_476 = tpu.memref_slice %arg10[%dma_start3A_467] : memref<8x!tpu.dma_semaphore, #tpu.memory_space<semaphore_mem>> -> memref<1x!tpu.dma_semaphore, #tpu.memory_space<semaphore_mem>>
      %dma_start3A_477 = tpu.memref_squeeze %dma_start3A_476 : memref<1x!tpu.dma_semaphore, #tpu.memory_space<semaphore_mem>> -> memref<!tpu.dma_semaphore, #tpu.memory_space<semaphore_mem>>
      tpu.enqueue_indirect_dma source(%dma_start3A_475 : memref<100000x128xf32, #tpu.memory_space<hbm>>) target(%dma_start3A_471 : memref<64x128xf32, #tpu.memory_space<vmem>>) offsets(%dma_start3A_472 : memref<64xi32, #tpu.memory_space<vmem>>) semaphore(%dma_start3A_477 : memref<!tpu.dma_semaphore, #tpu.memory_space<semaphore_mem>>) {add = true}
      %add3A_478 = arith.constant 2 : i32
      %add3A_479 = arith.addi %add3A_197, %add3A_478 : i32
      %dma_wait3A_480 = arith.constant 2 : i32
      %dma_wait3A_481 = arith.constant 2 : i32
      %dma_wait3A_482 = arith.constant 0 : i32
      %dma_wait3A_483 = arith.constant 0 : i32
      %dma_wait3A_484 = tpu.memref_slice %arg7[%dma_wait3A_480, %dma_wait3A_482, %dma_wait3A_483] : memref<8x64x128xf32, #tpu.memory_space<vmem>> -> memref<1x64x128xf32, #tpu.memory_space<vmem>>
      %dma_wait3A_485 = tpu.memref_squeeze %dma_wait3A_484 : memref<1x64x128xf32, #tpu.memory_space<vmem>> -> memref<64x128xf32, #tpu.memory_space<vmem>>
      %dma_wait3A_486 = arith.constant 0 : i32
      %dma_wait3A_487 = arith.constant 0 : i32
      %dma_wait3A_488 = tpu.memref_slice %arg8[%dma_wait3A_486, %dma_wait3A_487] : memref<2048x128xf32, #tpu.memory_space<vmem_shared>> -> memref<64x128xf32, #tpu.memory_space<vmem_shared>>
      %dma_wait3A_489 = tpu.memref_slice %arg9[%dma_wait3A_481] : memref<8x!tpu.dma_semaphore, #tpu.memory_space<semaphore_mem>> -> memref<1x!tpu.dma_semaphore, #tpu.memory_space<semaphore_mem>>
      %dma_wait3A_490 = tpu.memref_squeeze %dma_wait3A_489 : memref<1x!tpu.dma_semaphore, #tpu.memory_space<semaphore_mem>> -> memref<!tpu.dma_semaphore, #tpu.memory_space<semaphore_mem>>
      %dma_wait3A_491 = arith.constant 0 : i32
      %dma_wait3A_492 = arith.constant 0 : i32
      %dma_wait3A_493 = tpu.memref_slice %arg7[%dma_wait3A_480, %dma_wait3A_491, %dma_wait3A_492] : memref<8x64x128xf32, #tpu.memory_space<vmem>> -> memref<1x64x128xf32, #tpu.memory_space<vmem>>
      %dma_wait3A_494 = tpu.memref_squeeze %dma_wait3A_493 : memref<1x64x128xf32, #tpu.memory_space<vmem>> -> memref<64x128xf32, #tpu.memory_space<vmem>>
      %dma_wait3A_495 = arith.constant 0 : i32
      %dma_wait3A_496 = arith.constant 0 : i32
      %dma_wait3A_497 = tpu.memref_slice %arg8[%dma_wait3A_495, %dma_wait3A_496] : memref<2048x128xf32, #tpu.memory_space<vmem_shared>> -> memref<64x128xf32, #tpu.memory_space<vmem_shared>>
      tpu.wait_dma2 semaphore(%dma_wait3A_490 : memref<!tpu.dma_semaphore, #tpu.memory_space<semaphore_mem>>) src(%dma_wait3A_497 : memref<64x128xf32, #tpu.memory_space<vmem_shared>>) dst(%dma_wait3A_494 : memref<64x128xf32, #tpu.memory_space<vmem>>)
      %mul3A_498 = arith.constant 64 : i32
      %mul3A_499 = arith.muli %add3A_479, %mul3A_498 : i32
      %dma_start3A_500 = arith.constant 2 : i32
      %dma_start3A_501 = arith.constant 2 : i32
      %dma_start3A_502 = arith.constant 0 : i32
      %dma_start3A_503 = arith.constant 0 : i32
      %dma_start3A_504 = tpu.memref_slice %arg7[%dma_start3A_500, %dma_start3A_502, %dma_start3A_503] : memref<8x64x128xf32, #tpu.memory_space<vmem>> -> memref<1x64x128xf32, #tpu.memory_space<vmem>>
      %dma_start3A_505 = tpu.memref_squeeze %dma_start3A_504 : memref<1x64x128xf32, #tpu.memory_space<vmem>> -> memref<64x128xf32, #tpu.memory_space<vmem>>
      %dma_start3A_506 = tpu.memref_slice %arg6[%mul3A_499] : memref<4096xi32, #tpu.memory_space<vmem>> -> memref<64xi32, #tpu.memory_space<vmem>>
      %dma_start3A_507 = arith.constant 0 : i32
      %dma_start3A_508 = arith.constant 0 : i32
      %dma_start3A_509 = tpu.memref_slice %arg3[%dma_start3A_507, %dma_start3A_508] : memref<100000x128xf32, #tpu.memory_space<hbm>> -> memref<100000x128xf32, #tpu.memory_space<hbm>>
      %dma_start3A_510 = tpu.memref_slice %arg10[%dma_start3A_501] : memref<8x!tpu.dma_semaphore, #tpu.memory_space<semaphore_mem>> -> memref<1x!tpu.dma_semaphore, #tpu.memory_space<semaphore_mem>>
      %dma_start3A_511 = tpu.memref_squeeze %dma_start3A_510 : memref<1x!tpu.dma_semaphore, #tpu.memory_space<semaphore_mem>> -> memref<!tpu.dma_semaphore, #tpu.memory_space<semaphore_mem>>
      tpu.enqueue_indirect_dma source(%dma_start3A_509 : memref<100000x128xf32, #tpu.memory_space<hbm>>) target(%dma_start3A_505 : memref<64x128xf32, #tpu.memory_space<vmem>>) offsets(%dma_start3A_506 : memref<64xi32, #tpu.memory_space<vmem>>) semaphore(%dma_start3A_511 : memref<!tpu.dma_semaphore, #tpu.memory_space<semaphore_mem>>) {add = true}
      %add3A_512 = arith.constant 3 : i32
      %add3A_513 = arith.addi %add3A_197, %add3A_512 : i32
      %dma_wait3A_514 = arith.constant 3 : i32
      %dma_wait3A_515 = arith.constant 3 : i32
      %dma_wait3A_516 = arith.constant 0 : i32
      %dma_wait3A_517 = arith.constant 0 : i32
      %dma_wait3A_518 = tpu.memref_slice %arg7[%dma_wait3A_514, %dma_wait3A_516, %dma_wait3A_517] : memref<8x64x128xf32, #tpu.memory_space<vmem>> -> memref<1x64x128xf32, #tpu.memory_space<vmem>>
      %dma_wait3A_519 = tpu.memref_squeeze %dma_wait3A_518 : memref<1x64x128xf32, #tpu.memory_space<vmem>> -> memref<64x128xf32, #tpu.memory_space<vmem>>
      %dma_wait3A_520 = arith.constant 0 : i32
      %dma_wait3A_521 = arith.constant 0 : i32
      %dma_wait3A_522 = tpu.memref_slice %arg8[%dma_wait3A_520, %dma_wait3A_521] : memref<2048x128xf32, #tpu.memory_space<vmem_shared>> -> memref<64x128xf32, #tpu.memory_space<vmem_shared>>
      %dma_wait3A_523 = tpu.memref_slice %arg9[%dma_wait3A_515] : memref<8x!tpu.dma_semaphore, #tpu.memory_space<semaphore_mem>> -> memref<1x!tpu.dma_semaphore, #tpu.memory_space<semaphore_mem>>
      %dma_wait3A_524 = tpu.memref_squeeze %dma_wait3A_523 : memref<1x!tpu.dma_semaphore, #tpu.memory_space<semaphore_mem>> -> memref<!tpu.dma_semaphore, #tpu.memory_space<semaphore_mem>>
      %dma_wait3A_525 = arith.constant 0 : i32
      %dma_wait3A_526 = arith.constant 0 : i32
      %dma_wait3A_527 = tpu.memref_slice %arg7[%dma_wait3A_514, %dma_wait3A_525, %dma_wait3A_526] : memref<8x64x128xf32, #tpu.memory_space<vmem>> -> memref<1x64x128xf32, #tpu.memory_space<vmem>>
      %dma_wait3A_528 = tpu.memref_squeeze %dma_wait3A_527 : memref<1x64x128xf32, #tpu.memory_space<vmem>> -> memref<64x128xf32, #tpu.memory_space<vmem>>
      %dma_wait3A_529 = arith.constant 0 : i32
      %dma_wait3A_530 = arith.constant 0 : i32
      %dma_wait3A_531 = tpu.memref_slice %arg8[%dma_wait3A_529, %dma_wait3A_530] : memref<2048x128xf32, #tpu.memory_space<vmem_shared>> -> memref<64x128xf32, #tpu.memory_space<vmem_shared>>
      tpu.wait_dma2 semaphore(%dma_wait3A_524 : memref<!tpu.dma_semaphore, #tpu.memory_space<semaphore_mem>>) src(%dma_wait3A_531 : memref<64x128xf32, #tpu.memory_space<vmem_shared>>) dst(%dma_wait3A_528 : memref<64x128xf32, #tpu.memory_space<vmem>>)
      %mul3A_532 = arith.constant 64 : i32
      %mul3A_533 = arith.muli %add3A_513, %mul3A_532 : i32
      %dma_start3A_534 = arith.constant 3 : i32
      %dma_start3A_535 = arith.constant 3 : i32
      %dma_start3A_536 = arith.constant 0 : i32
      %dma_start3A_537 = arith.constant 0 : i32
      %dma_start3A_538 = tpu.memref_slice %arg7[%dma_start3A_534, %dma_start3A_536, %dma_start3A_537] : memref<8x64x128xf32, #tpu.memory_space<vmem>> -> memref<1x64x128xf32, #tpu.memory_space<vmem>>
      %dma_start3A_539 = tpu.memref_squeeze %dma_start3A_538 : memref<1x64x128xf32, #tpu.memory_space<vmem>> -> memref<64x128xf32, #tpu.memory_space<vmem>>
      %dma_start3A_540 = tpu.memref_slice %arg6[%mul3A_533] : memref<4096xi32, #tpu.memory_space<vmem>> -> memref<64xi32, #tpu.memory_space<vmem>>
      %dma_start3A_541 = arith.constant 0 : i32
      %dma_start3A_542 = arith.constant 0 : i32
      %dma_start3A_543 = tpu.memref_slice %arg3[%dma_start3A_541, %dma_start3A_542] : memref<100000x128xf32, #tpu.memory_space<hbm>> -> memref<100000x128xf32, #tpu.memory_space<hbm>>
      %dma_start3A_544 = tpu.memref_slice %arg10[%dma_start3A_535] : memref<8x!tpu.dma_semaphore, #tpu.memory_space<semaphore_mem>> -> memref<1x!tpu.dma_semaphore, #tpu.memory_space<semaphore_mem>>
      %dma_start3A_545 = tpu.memref_squeeze %dma_start3A_544 : memref<1x!tpu.dma_semaphore, #tpu.memory_space<semaphore_mem>> -> memref<!tpu.dma_semaphore, #tpu.memory_space<semaphore_mem>>
      tpu.enqueue_indirect_dma source(%dma_start3A_543 : memref<100000x128xf32, #tpu.memory_space<hbm>>) target(%dma_start3A_539 : memref<64x128xf32, #tpu.memory_space<vmem>>) offsets(%dma_start3A_540 : memref<64xi32, #tpu.memory_space<vmem>>) semaphore(%dma_start3A_545 : memref<!tpu.dma_semaphore, #tpu.memory_space<semaphore_mem>>) {add = true}
      %add3A_546 = arith.constant 4 : i32
      %add3A_547 = arith.addi %add3A_197, %add3A_546 : i32
      %dma_wait3A_548 = arith.constant 4 : i32
      %dma_wait3A_549 = arith.constant 4 : i32
      %dma_wait3A_550 = arith.constant 0 : i32
      %dma_wait3A_551 = arith.constant 0 : i32
      %dma_wait3A_552 = tpu.memref_slice %arg7[%dma_wait3A_548, %dma_wait3A_550, %dma_wait3A_551] : memref<8x64x128xf32, #tpu.memory_space<vmem>> -> memref<1x64x128xf32, #tpu.memory_space<vmem>>
      %dma_wait3A_553 = tpu.memref_squeeze %dma_wait3A_552 : memref<1x64x128xf32, #tpu.memory_space<vmem>> -> memref<64x128xf32, #tpu.memory_space<vmem>>
      %dma_wait3A_554 = arith.constant 0 : i32
      %dma_wait3A_555 = arith.constant 0 : i32
      %dma_wait3A_556 = tpu.memref_slice %arg8[%dma_wait3A_554, %dma_wait3A_555] : memref<2048x128xf32, #tpu.memory_space<vmem_shared>> -> memref<64x128xf32, #tpu.memory_space<vmem_shared>>
      %dma_wait3A_557 = tpu.memref_slice %arg9[%dma_wait3A_549] : memref<8x!tpu.dma_semaphore, #tpu.memory_space<semaphore_mem>> -> memref<1x!tpu.dma_semaphore, #tpu.memory_space<semaphore_mem>>
      %dma_wait3A_558 = tpu.memref_squeeze %dma_wait3A_557 : memref<1x!tpu.dma_semaphore, #tpu.memory_space<semaphore_mem>> -> memref<!tpu.dma_semaphore, #tpu.memory_space<semaphore_mem>>
      %dma_wait3A_559 = arith.constant 0 : i32
      %dma_wait3A_560 = arith.constant 0 : i32
      %dma_wait3A_561 = tpu.memref_slice %arg7[%dma_wait3A_548, %dma_wait3A_559, %dma_wait3A_560] : memref<8x64x128xf32, #tpu.memory_space<vmem>> -> memref<1x64x128xf32, #tpu.memory_space<vmem>>
      %dma_wait3A_562 = tpu.memref_squeeze %dma_wait3A_561 : memref<1x64x128xf32, #tpu.memory_space<vmem>> -> memref<64x128xf32, #tpu.memory_space<vmem>>
      %dma_wait3A_563 = arith.constant 0 : i32
      %dma_wait3A_564 = arith.constant 0 : i32
      %dma_wait3A_565 = tpu.memref_slice %arg8[%dma_wait3A_563, %dma_wait3A_564] : memref<2048x128xf32, #tpu.memory_space<vmem_shared>> -> memref<64x128xf32, #tpu.memory_space<vmem_shared>>
      tpu.wait_dma2 semaphore(%dma_wait3A_558 : memref<!tpu.dma_semaphore, #tpu.memory_space<semaphore_mem>>) src(%dma_wait3A_565 : memref<64x128xf32, #tpu.memory_space<vmem_shared>>) dst(%dma_wait3A_562 : memref<64x128xf32, #tpu.memory_space<vmem>>)
      %mul3A_566 = arith.constant 64 : i32
      %mul3A_567 = arith.muli %add3A_547, %mul3A_566 : i32
      %dma_start3A_568 = arith.constant 4 : i32
      %dma_start3A_569 = arith.constant 4 : i32
      %dma_start3A_570 = arith.constant 0 : i32
      %dma_start3A_571 = arith.constant 0 : i32
      %dma_start3A_572 = tpu.memref_slice %arg7[%dma_start3A_568, %dma_start3A_570, %dma_start3A_571] : memref<8x64x128xf32, #tpu.memory_space<vmem>> -> memref<1x64x128xf32, #tpu.memory_space<vmem>>
      %dma_start3A_573 = tpu.memref_squeeze %dma_start3A_572 : memref<1x64x128xf32, #tpu.memory_space<vmem>> -> memref<64x128xf32, #tpu.memory_space<vmem>>
      %dma_start3A_574 = tpu.memref_slice %arg6[%mul3A_567] : memref<4096xi32, #tpu.memory_space<vmem>> -> memref<64xi32, #tpu.memory_space<vmem>>
      %dma_start3A_575 = arith.constant 0 : i32
      %dma_start3A_576 = arith.constant 0 : i32
      %dma_start3A_577 = tpu.memref_slice %arg3[%dma_start3A_575, %dma_start3A_576] : memref<100000x128xf32, #tpu.memory_space<hbm>> -> memref<100000x128xf32, #tpu.memory_space<hbm>>
      %dma_start3A_578 = tpu.memref_slice %arg10[%dma_start3A_569] : memref<8x!tpu.dma_semaphore, #tpu.memory_space<semaphore_mem>> -> memref<1x!tpu.dma_semaphore, #tpu.memory_space<semaphore_mem>>
      %dma_start3A_579 = tpu.memref_squeeze %dma_start3A_578 : memref<1x!tpu.dma_semaphore, #tpu.memory_space<semaphore_mem>> -> memref<!tpu.dma_semaphore, #tpu.memory_space<semaphore_mem>>
      tpu.enqueue_indirect_dma source(%dma_start3A_577 : memref<100000x128xf32, #tpu.memory_space<hbm>>) target(%dma_start3A_573 : memref<64x128xf32, #tpu.memory_space<vmem>>) offsets(%dma_start3A_574 : memref<64xi32, #tpu.memory_space<vmem>>) semaphore(%dma_start3A_579 : memref<!tpu.dma_semaphore, #tpu.memory_space<semaphore_mem>>) {add = true}
      %add3A_580 = arith.constant 5 : i32
      %add3A_581 = arith.addi %add3A_197, %add3A_580 : i32
      %dma_wait3A_582 = arith.constant 5 : i32
      %dma_wait3A_583 = arith.constant 5 : i32
      %dma_wait3A_584 = arith.constant 0 : i32
      %dma_wait3A_585 = arith.constant 0 : i32
      %dma_wait3A_586 = tpu.memref_slice %arg7[%dma_wait3A_582, %dma_wait3A_584, %dma_wait3A_585] : memref<8x64x128xf32, #tpu.memory_space<vmem>> -> memref<1x64x128xf32, #tpu.memory_space<vmem>>
      %dma_wait3A_587 = tpu.memref_squeeze %dma_wait3A_586 : memref<1x64x128xf32, #tpu.memory_space<vmem>> -> memref<64x128xf32, #tpu.memory_space<vmem>>
      %dma_wait3A_588 = arith.constant 0 : i32
      %dma_wait3A_589 = arith.constant 0 : i32
      %dma_wait3A_590 = tpu.memref_slice %arg8[%dma_wait3A_588, %dma_wait3A_589] : memref<2048x128xf32, #tpu.memory_space<vmem_shared>> -> memref<64x128xf32, #tpu.memory_space<vmem_shared>>
      %dma_wait3A_591 = tpu.memref_slice %arg9[%dma_wait3A_583] : memref<8x!tpu.dma_semaphore, #tpu.memory_space<semaphore_mem>> -> memref<1x!tpu.dma_semaphore, #tpu.memory_space<semaphore_mem>>
      %dma_wait3A_592 = tpu.memref_squeeze %dma_wait3A_591 : memref<1x!tpu.dma_semaphore, #tpu.memory_space<semaphore_mem>> -> memref<!tpu.dma_semaphore, #tpu.memory_space<semaphore_mem>>
      %dma_wait3A_593 = arith.constant 0 : i32
      %dma_wait3A_594 = arith.constant 0 : i32
      %dma_wait3A_595 = tpu.memref_slice %arg7[%dma_wait3A_582, %dma_wait3A_593, %dma_wait3A_594] : memref<8x64x128xf32, #tpu.memory_space<vmem>> -> memref<1x64x128xf32, #tpu.memory_space<vmem>>
      %dma_wait3A_596 = tpu.memref_squeeze %dma_wait3A_595 : memref<1x64x128xf32, #tpu.memory_space<vmem>> -> memref<64x128xf32, #tpu.memory_space<vmem>>
      %dma_wait3A_597 = arith.constant 0 : i32
      %dma_wait3A_598 = arith.constant 0 : i32
      %dma_wait3A_599 = tpu.memref_slice %arg8[%dma_wait3A_597, %dma_wait3A_598] : memref<2048x128xf32, #tpu.memory_space<vmem_shared>> -> memref<64x128xf32, #tpu.memory_space<vmem_shared>>
      tpu.wait_dma2 semaphore(%dma_wait3A_592 : memref<!tpu.dma_semaphore, #tpu.memory_space<semaphore_mem>>) src(%dma_wait3A_599 : memref<64x128xf32, #tpu.memory_space<vmem_shared>>) dst(%dma_wait3A_596 : memref<64x128xf32, #tpu.memory_space<vmem>>)
      %mul3A_600 = arith.constant 64 : i32
      %mul3A_601 = arith.muli %add3A_581, %mul3A_600 : i32
      %dma_start3A_602 = arith.constant 5 : i32
      %dma_start3A_603 = arith.constant 5 : i32
      %dma_start3A_604 = arith.constant 0 : i32
      %dma_start3A_605 = arith.constant 0 : i32
      %dma_start3A_606 = tpu.memref_slice %arg7[%dma_start3A_602, %dma_start3A_604, %dma_start3A_605] : memref<8x64x128xf32, #tpu.memory_space<vmem>> -> memref<1x64x128xf32, #tpu.memory_space<vmem>>
      %dma_start3A_607 = tpu.memref_squeeze %dma_start3A_606 : memref<1x64x128xf32, #tpu.memory_space<vmem>> -> memref<64x128xf32, #tpu.memory_space<vmem>>
      %dma_start3A_608 = tpu.memref_slice %arg6[%mul3A_601] : memref<4096xi32, #tpu.memory_space<vmem>> -> memref<64xi32, #tpu.memory_space<vmem>>
      %dma_start3A_609 = arith.constant 0 : i32
      %dma_start3A_610 = arith.constant 0 : i32
      %dma_start3A_611 = tpu.memref_slice %arg3[%dma_start3A_609, %dma_start3A_610] : memref<100000x128xf32, #tpu.memory_space<hbm>> -> memref<100000x128xf32, #tpu.memory_space<hbm>>
      %dma_start3A_612 = tpu.memref_slice %arg10[%dma_start3A_603] : memref<8x!tpu.dma_semaphore, #tpu.memory_space<semaphore_mem>> -> memref<1x!tpu.dma_semaphore, #tpu.memory_space<semaphore_mem>>
      %dma_start3A_613 = tpu.memref_squeeze %dma_start3A_612 : memref<1x!tpu.dma_semaphore, #tpu.memory_space<semaphore_mem>> -> memref<!tpu.dma_semaphore, #tpu.memory_space<semaphore_mem>>
      tpu.enqueue_indirect_dma source(%dma_start3A_611 : memref<100000x128xf32, #tpu.memory_space<hbm>>) target(%dma_start3A_607 : memref<64x128xf32, #tpu.memory_space<vmem>>) offsets(%dma_start3A_608 : memref<64xi32, #tpu.memory_space<vmem>>) semaphore(%dma_start3A_613 : memref<!tpu.dma_semaphore, #tpu.memory_space<semaphore_mem>>) {add = true}
      %add3A_614 = arith.constant 6 : i32
      %add3A_615 = arith.addi %add3A_197, %add3A_614 : i32
      %dma_wait3A_616 = arith.constant 6 : i32
      %dma_wait3A_617 = arith.constant 6 : i32
      %dma_wait3A_618 = arith.constant 0 : i32
      %dma_wait3A_619 = arith.constant 0 : i32
      %dma_wait3A_620 = tpu.memref_slice %arg7[%dma_wait3A_616, %dma_wait3A_618, %dma_wait3A_619] : memref<8x64x128xf32, #tpu.memory_space<vmem>> -> memref<1x64x128xf32, #tpu.memory_space<vmem>>
      %dma_wait3A_621 = tpu.memref_squeeze %dma_wait3A_620 : memref<1x64x128xf32, #tpu.memory_space<vmem>> -> memref<64x128xf32, #tpu.memory_space<vmem>>
      %dma_wait3A_622 = arith.constant 0 : i32
      %dma_wait3A_623 = arith.constant 0 : i32
      %dma_wait3A_624 = tpu.memref_slice %arg8[%dma_wait3A_622, %dma_wait3A_623] : memref<2048x128xf32, #tpu.memory_space<vmem_shared>> -> memref<64x128xf32, #tpu.memory_space<vmem_shared>>
      %dma_wait3A_625 = tpu.memref_slice %arg9[%dma_wait3A_617] : memref<8x!tpu.dma_semaphore, #tpu.memory_space<semaphore_mem>> -> memref<1x!tpu.dma_semaphore, #tpu.memory_space<semaphore_mem>>
      %dma_wait3A_626 = tpu.memref_squeeze %dma_wait3A_625 : memref<1x!tpu.dma_semaphore, #tpu.memory_space<semaphore_mem>> -> memref<!tpu.dma_semaphore, #tpu.memory_space<semaphore_mem>>
      %dma_wait3A_627 = arith.constant 0 : i32
      %dma_wait3A_628 = arith.constant 0 : i32
      %dma_wait3A_629 = tpu.memref_slice %arg7[%dma_wait3A_616, %dma_wait3A_627, %dma_wait3A_628] : memref<8x64x128xf32, #tpu.memory_space<vmem>> -> memref<1x64x128xf32, #tpu.memory_space<vmem>>
      %dma_wait3A_630 = tpu.memref_squeeze %dma_wait3A_629 : memref<1x64x128xf32, #tpu.memory_space<vmem>> -> memref<64x128xf32, #tpu.memory_space<vmem>>
      %dma_wait3A_631 = arith.constant 0 : i32
      %dma_wait3A_632 = arith.constant 0 : i32
      %dma_wait3A_633 = tpu.memref_slice %arg8[%dma_wait3A_631, %dma_wait3A_632] : memref<2048x128xf32, #tpu.memory_space<vmem_shared>> -> memref<64x128xf32, #tpu.memory_space<vmem_shared>>
      tpu.wait_dma2 semaphore(%dma_wait3A_626 : memref<!tpu.dma_semaphore, #tpu.memory_space<semaphore_mem>>) src(%dma_wait3A_633 : memref<64x128xf32, #tpu.memory_space<vmem_shared>>) dst(%dma_wait3A_630 : memref<64x128xf32, #tpu.memory_space<vmem>>)
      %mul3A_634 = arith.constant 64 : i32
      %mul3A_635 = arith.muli %add3A_615, %mul3A_634 : i32
      %dma_start3A_636 = arith.constant 6 : i32
      %dma_start3A_637 = arith.constant 6 : i32
      %dma_start3A_638 = arith.constant 0 : i32
      %dma_start3A_639 = arith.constant 0 : i32
      %dma_start3A_640 = tpu.memref_slice %arg7[%dma_start3A_636, %dma_start3A_638, %dma_start3A_639] : memref<8x64x128xf32, #tpu.memory_space<vmem>> -> memref<1x64x128xf32, #tpu.memory_space<vmem>>
      %dma_start3A_641 = tpu.memref_squeeze %dma_start3A_640 : memref<1x64x128xf32, #tpu.memory_space<vmem>> -> memref<64x128xf32, #tpu.memory_space<vmem>>
      %dma_start3A_642 = tpu.memref_slice %arg6[%mul3A_635] : memref<4096xi32, #tpu.memory_space<vmem>> -> memref<64xi32, #tpu.memory_space<vmem>>
      %dma_start3A_643 = arith.constant 0 : i32
      %dma_start3A_644 = arith.constant 0 : i32
      %dma_start3A_645 = tpu.memref_slice %arg3[%dma_start3A_643, %dma_start3A_644] : memref<100000x128xf32, #tpu.memory_space<hbm>> -> memref<100000x128xf32, #tpu.memory_space<hbm>>
      %dma_start3A_646 = tpu.memref_slice %arg10[%dma_start3A_637] : memref<8x!tpu.dma_semaphore, #tpu.memory_space<semaphore_mem>> -> memref<1x!tpu.dma_semaphore, #tpu.memory_space<semaphore_mem>>
      %dma_start3A_647 = tpu.memref_squeeze %dma_start3A_646 : memref<1x!tpu.dma_semaphore, #tpu.memory_space<semaphore_mem>> -> memref<!tpu.dma_semaphore, #tpu.memory_space<semaphore_mem>>
      tpu.enqueue_indirect_dma source(%dma_start3A_645 : memref<100000x128xf32, #tpu.memory_space<hbm>>) target(%dma_start3A_641 : memref<64x128xf32, #tpu.memory_space<vmem>>) offsets(%dma_start3A_642 : memref<64xi32, #tpu.memory_space<vmem>>) semaphore(%dma_start3A_647 : memref<!tpu.dma_semaphore, #tpu.memory_space<semaphore_mem>>) {add = true}
      %add3A_648 = arith.constant 7 : i32
      %add3A_649 = arith.addi %add3A_197, %add3A_648 : i32
      %dma_wait3A_650 = arith.constant 7 : i32
      %dma_wait3A_651 = arith.constant 7 : i32
      %dma_wait3A_652 = arith.constant 0 : i32
      %dma_wait3A_653 = arith.constant 0 : i32
      %dma_wait3A_654 = tpu.memref_slice %arg7[%dma_wait3A_650, %dma_wait3A_652, %dma_wait3A_653] : memref<8x64x128xf32, #tpu.memory_space<vmem>> -> memref<1x64x128xf32, #tpu.memory_space<vmem>>
      %dma_wait3A_655 = tpu.memref_squeeze %dma_wait3A_654 : memref<1x64x128xf32, #tpu.memory_space<vmem>> -> memref<64x128xf32, #tpu.memory_space<vmem>>
      %dma_wait3A_656 = arith.constant 0 : i32
      %dma_wait3A_657 = arith.constant 0 : i32
      %dma_wait3A_658 = tpu.memref_slice %arg8[%dma_wait3A_656, %dma_wait3A_657] : memref<2048x128xf32, #tpu.memory_space<vmem_shared>> -> memref<64x128xf32, #tpu.memory_space<vmem_shared>>
      %dma_wait3A_659 = tpu.memref_slice %arg9[%dma_wait3A_651] : memref<8x!tpu.dma_semaphore, #tpu.memory_space<semaphore_mem>> -> memref<1x!tpu.dma_semaphore, #tpu.memory_space<semaphore_mem>>
      %dma_wait3A_660 = tpu.memref_squeeze %dma_wait3A_659 : memref<1x!tpu.dma_semaphore, #tpu.memory_space<semaphore_mem>> -> memref<!tpu.dma_semaphore, #tpu.memory_space<semaphore_mem>>
      %dma_wait3A_661 = arith.constant 0 : i32
      %dma_wait3A_662 = arith.constant 0 : i32
      %dma_wait3A_663 = tpu.memref_slice %arg7[%dma_wait3A_650, %dma_wait3A_661, %dma_wait3A_662] : memref<8x64x128xf32, #tpu.memory_space<vmem>> -> memref<1x64x128xf32, #tpu.memory_space<vmem>>
      %dma_wait3A_664 = tpu.memref_squeeze %dma_wait3A_663 : memref<1x64x128xf32, #tpu.memory_space<vmem>> -> memref<64x128xf32, #tpu.memory_space<vmem>>
      %dma_wait3A_665 = arith.constant 0 : i32
      %dma_wait3A_666 = arith.constant 0 : i32
      %dma_wait3A_667 = tpu.memref_slice %arg8[%dma_wait3A_665, %dma_wait3A_666] : memref<2048x128xf32, #tpu.memory_space<vmem_shared>> -> memref<64x128xf32, #tpu.memory_space<vmem_shared>>
      tpu.wait_dma2 semaphore(%dma_wait3A_660 : memref<!tpu.dma_semaphore, #tpu.memory_space<semaphore_mem>>) src(%dma_wait3A_667 : memref<64x128xf32, #tpu.memory_space<vmem_shared>>) dst(%dma_wait3A_664 : memref<64x128xf32, #tpu.memory_space<vmem>>)
      %mul3A_668 = arith.constant 64 : i32
      %mul3A_669 = arith.muli %add3A_649, %mul3A_668 : i32
      %dma_start3A_670 = arith.constant 7 : i32
      %dma_start3A_671 = arith.constant 7 : i32
      %dma_start3A_672 = arith.constant 0 : i32
      %dma_start3A_673 = arith.constant 0 : i32
      %dma_start3A_674 = tpu.memref_slice %arg7[%dma_start3A_670, %dma_start3A_672, %dma_start3A_673] : memref<8x64x128xf32, #tpu.memory_space<vmem>> -> memref<1x64x128xf32, #tpu.memory_space<vmem>>
      %dma_start3A_675 = tpu.memref_squeeze %dma_start3A_674 : memref<1x64x128xf32, #tpu.memory_space<vmem>> -> memref<64x128xf32, #tpu.memory_space<vmem>>
      %dma_start3A_676 = tpu.memref_slice %arg6[%mul3A_669] : memref<4096xi32, #tpu.memory_space<vmem>> -> memref<64xi32, #tpu.memory_space<vmem>>
      %dma_start3A_677 = arith.constant 0 : i32
      %dma_start3A_678 = arith.constant 0 : i32
      %dma_start3A_679 = tpu.memref_slice %arg3[%dma_start3A_677, %dma_start3A_678] : memref<100000x128xf32, #tpu.memory_space<hbm>> -> memref<100000x128xf32, #tpu.memory_space<hbm>>
      %dma_start3A_680 = tpu.memref_slice %arg10[%dma_start3A_671] : memref<8x!tpu.dma_semaphore, #tpu.memory_space<semaphore_mem>> -> memref<1x!tpu.dma_semaphore, #tpu.memory_space<semaphore_mem>>
      %dma_start3A_681 = tpu.memref_squeeze %dma_start3A_680 : memref<1x!tpu.dma_semaphore, #tpu.memory_space<semaphore_mem>> -> memref<!tpu.dma_semaphore, #tpu.memory_space<semaphore_mem>>
      tpu.enqueue_indirect_dma source(%dma_start3A_679 : memref<100000x128xf32, #tpu.memory_space<hbm>>) target(%dma_start3A_675 : memref<64x128xf32, #tpu.memory_space<vmem>>) offsets(%dma_start3A_676 : memref<64xi32, #tpu.memory_space<vmem>>) semaphore(%dma_start3A_681 : memref<!tpu.dma_semaphore, #tpu.memory_space<semaphore_mem>>) {add = true}
      %add3A_682 = arith.constant 0 : i32
      %add3A_683 = arith.addi %add3A_197, %add3A_682 : i32
      %mul3A_684 = arith.constant 64 : i32
      %mul3A_685 = arith.muli %add3A_683, %mul3A_684 : i32
      %add3A_686 = arith.addi %mul3A_2, %mul3A_685 : i32
      %mul3A_687 = arith.constant 64 : i32
      %mul3A_688 = arith.muli %add3A_683, %mul3A_687 : i32
      %dma_wait3A_689 = arith.constant 0 : i32
      %dma_wait3A_690 = arith.constant 0 : i32
      %dma_wait3A_691 = arith.constant 0 : i32
      %dma_wait3A_692 = arith.constant 0 : i32
      %dma_wait3A_693 = tpu.memref_slice %arg7[%dma_wait3A_689, %dma_wait3A_691, %dma_wait3A_692] : memref<8x64x128xf32, #tpu.memory_space<vmem>> -> memref<1x64x128xf32, #tpu.memory_space<vmem>>
      %dma_wait3A_694 = tpu.memref_squeeze %dma_wait3A_693 : memref<1x64x128xf32, #tpu.memory_space<vmem>> -> memref<64x128xf32, #tpu.memory_space<vmem>>
      %dma_wait3A_695 = tpu.memref_slice %arg6[%mul3A_688] : memref<4096xi32, #tpu.memory_space<vmem>> -> memref<64xi32, #tpu.memory_space<vmem>>
      %dma_wait3A_696 = arith.constant 0 : i32
      %dma_wait3A_697 = arith.constant 0 : i32
      %dma_wait3A_698 = tpu.memref_slice %arg3[%dma_wait3A_696, %dma_wait3A_697] : memref<100000x128xf32, #tpu.memory_space<hbm>> -> memref<100000x128xf32, #tpu.memory_space<hbm>>
      %dma_wait3A_699 = tpu.memref_slice %arg10[%dma_wait3A_690] : memref<8x!tpu.dma_semaphore, #tpu.memory_space<semaphore_mem>> -> memref<1x!tpu.dma_semaphore, #tpu.memory_space<semaphore_mem>>
      %dma_wait3A_700 = tpu.memref_squeeze %dma_wait3A_699 : memref<1x!tpu.dma_semaphore, #tpu.memory_space<semaphore_mem>> -> memref<!tpu.dma_semaphore, #tpu.memory_space<semaphore_mem>>
      tpu.wait_indirect_dma semaphore(%dma_wait3A_700 : memref<!tpu.dma_semaphore, #tpu.memory_space<semaphore_mem>>) src(%dma_wait3A_698 : memref<100000x128xf32, #tpu.memory_space<hbm>>) dst(%dma_wait3A_694 : memref<64x128xf32, #tpu.memory_space<vmem>>)
      %dma_start3A_701 = arith.constant 0 : i32
      %dma_start3A_702 = arith.constant 0 : i32
      %dma_start3A_703 = arith.constant 0 : i32
      %dma_start3A_704 = arith.constant 0 : i32
      %dma_start3A_705 = tpu.memref_slice %arg7[%dma_start3A_701, %dma_start3A_703, %dma_start3A_704] : memref<8x64x128xf32, #tpu.memory_space<vmem>> -> memref<1x64x128xf32, #tpu.memory_space<vmem>>
      %dma_start3A_706 = tpu.memref_squeeze %dma_start3A_705 : memref<1x64x128xf32, #tpu.memory_space<vmem>> -> memref<64x128xf32, #tpu.memory_space<vmem>>
      %dma_start3A_707 = arith.constant 0 : i32
      %dma_start3A_708 = tpu.memref_slice %arg5[%add3A_686, %dma_start3A_707] : memref<131072x128xf32, #tpu.memory_space<hbm>> -> memref<64x128xf32, #tpu.memory_space<hbm>>
      %dma_start3A_709 = tpu.memref_slice %arg11[%dma_start3A_702] : memref<8x!tpu.dma_semaphore, #tpu.memory_space<semaphore_mem>> -> memref<1x!tpu.dma_semaphore, #tpu.memory_space<semaphore_mem>>
      %dma_start3A_710 = tpu.memref_squeeze %dma_start3A_709 : memref<1x!tpu.dma_semaphore, #tpu.memory_space<semaphore_mem>> -> memref<!tpu.dma_semaphore, #tpu.memory_space<semaphore_mem>>
      %dma_start3A_711 = arith.constant 0 : i32
      %dma_start3A_712 = tpu.memref_slice %arg5[%add3A_686, %dma_start3A_711] : memref<131072x128xf32, #tpu.memory_space<hbm>> -> memref<64x128xf32, #tpu.memory_space<hbm>>
      %dma_start3A_713 = arith.constant 0 : i32
      %dma_start3A_714 = arith.constant 0 : i32
      %dma_start3A_715 = tpu.memref_slice %arg7[%dma_start3A_701, %dma_start3A_713, %dma_start3A_714] : memref<8x64x128xf32, #tpu.memory_space<vmem>> -> memref<1x64x128xf32, #tpu.memory_space<vmem>>
      %dma_start3A_716 = tpu.memref_squeeze %dma_start3A_715 : memref<1x64x128xf32, #tpu.memory_space<vmem>> -> memref<64x128xf32, #tpu.memory_space<vmem>>
      tpu.enqueue_dma source(%dma_start3A_716 : memref<64x128xf32, #tpu.memory_space<vmem>>) target(%dma_start3A_712 : memref<64x128xf32, #tpu.memory_space<hbm>>) target_semaphore(%dma_start3A_710 : memref<!tpu.dma_semaphore, #tpu.memory_space<semaphore_mem>>)
      %add3A_717 = arith.constant 1 : i32
      %add3A_718 = arith.addi %add3A_197, %add3A_717 : i32
      %mul3A_719 = arith.constant 64 : i32
      %mul3A_720 = arith.muli %add3A_718, %mul3A_719 : i32
      %add3A_721 = arith.addi %mul3A_2, %mul3A_720 : i32
      %mul3A_722 = arith.constant 64 : i32
      %mul3A_723 = arith.muli %add3A_718, %mul3A_722 : i32
      %dma_wait3A_724 = arith.constant 1 : i32
      %dma_wait3A_725 = arith.constant 1 : i32
      %dma_wait3A_726 = arith.constant 0 : i32
      %dma_wait3A_727 = arith.constant 0 : i32
      %dma_wait3A_728 = tpu.memref_slice %arg7[%dma_wait3A_724, %dma_wait3A_726, %dma_wait3A_727] : memref<8x64x128xf32, #tpu.memory_space<vmem>> -> memref<1x64x128xf32, #tpu.memory_space<vmem>>
      %dma_wait3A_729 = tpu.memref_squeeze %dma_wait3A_728 : memref<1x64x128xf32, #tpu.memory_space<vmem>> -> memref<64x128xf32, #tpu.memory_space<vmem>>
      %dma_wait3A_730 = tpu.memref_slice %arg6[%mul3A_723] : memref<4096xi32, #tpu.memory_space<vmem>> -> memref<64xi32, #tpu.memory_space<vmem>>
      %dma_wait3A_731 = arith.constant 0 : i32
      %dma_wait3A_732 = arith.constant 0 : i32
      %dma_wait3A_733 = tpu.memref_slice %arg3[%dma_wait3A_731, %dma_wait3A_732] : memref<100000x128xf32, #tpu.memory_space<hbm>> -> memref<100000x128xf32, #tpu.memory_space<hbm>>
      %dma_wait3A_734 = tpu.memref_slice %arg10[%dma_wait3A_725] : memref<8x!tpu.dma_semaphore, #tpu.memory_space<semaphore_mem>> -> memref<1x!tpu.dma_semaphore, #tpu.memory_space<semaphore_mem>>
      %dma_wait3A_735 = tpu.memref_squeeze %dma_wait3A_734 : memref<1x!tpu.dma_semaphore, #tpu.memory_space<semaphore_mem>> -> memref<!tpu.dma_semaphore, #tpu.memory_space<semaphore_mem>>
      tpu.wait_indirect_dma semaphore(%dma_wait3A_735 : memref<!tpu.dma_semaphore, #tpu.memory_space<semaphore_mem>>) src(%dma_wait3A_733 : memref<100000x128xf32, #tpu.memory_space<hbm>>) dst(%dma_wait3A_729 : memref<64x128xf32, #tpu.memory_space<vmem>>)
      %dma_start3A_736 = arith.constant 1 : i32
      %dma_start3A_737 = arith.constant 1 : i32
      %dma_start3A_738 = arith.constant 0 : i32
      %dma_start3A_739 = arith.constant 0 : i32
      %dma_start3A_740 = tpu.memref_slice %arg7[%dma_start3A_736, %dma_start3A_738, %dma_start3A_739] : memref<8x64x128xf32, #tpu.memory_space<vmem>> -> memref<1x64x128xf32, #tpu.memory_space<vmem>>
      %dma_start3A_741 = tpu.memref_squeeze %dma_start3A_740 : memref<1x64x128xf32, #tpu.memory_space<vmem>> -> memref<64x128xf32, #tpu.memory_space<vmem>>
      %dma_start3A_742 = arith.constant 0 : i32
      %dma_start3A_743 = tpu.memref_slice %arg5[%add3A_721, %dma_start3A_742] : memref<131072x128xf32, #tpu.memory_space<hbm>> -> memref<64x128xf32, #tpu.memory_space<hbm>>
      %dma_start3A_744 = tpu.memref_slice %arg11[%dma_start3A_737] : memref<8x!tpu.dma_semaphore, #tpu.memory_space<semaphore_mem>> -> memref<1x!tpu.dma_semaphore, #tpu.memory_space<semaphore_mem>>
      %dma_start3A_745 = tpu.memref_squeeze %dma_start3A_744 : memref<1x!tpu.dma_semaphore, #tpu.memory_space<semaphore_mem>> -> memref<!tpu.dma_semaphore, #tpu.memory_space<semaphore_mem>>
      %dma_start3A_746 = arith.constant 0 : i32
      %dma_start3A_747 = tpu.memref_slice %arg5[%add3A_721, %dma_start3A_746] : memref<131072x128xf32, #tpu.memory_space<hbm>> -> memref<64x128xf32, #tpu.memory_space<hbm>>
      %dma_start3A_748 = arith.constant 0 : i32
      %dma_start3A_749 = arith.constant 0 : i32
      %dma_start3A_750 = tpu.memref_slice %arg7[%dma_start3A_736, %dma_start3A_748, %dma_start3A_749] : memref<8x64x128xf32, #tpu.memory_space<vmem>> -> memref<1x64x128xf32, #tpu.memory_space<vmem>>
      %dma_start3A_751 = tpu.memref_squeeze %dma_start3A_750 : memref<1x64x128xf32, #tpu.memory_space<vmem>> -> memref<64x128xf32, #tpu.memory_space<vmem>>
      tpu.enqueue_dma source(%dma_start3A_751 : memref<64x128xf32, #tpu.memory_space<vmem>>) target(%dma_start3A_747 : memref<64x128xf32, #tpu.memory_space<hbm>>) target_semaphore(%dma_start3A_745 : memref<!tpu.dma_semaphore, #tpu.memory_space<semaphore_mem>>)
      %add3A_752 = arith.constant 2 : i32
      %add3A_753 = arith.addi %add3A_197, %add3A_752 : i32
      %mul3A_754 = arith.constant 64 : i32
      %mul3A_755 = arith.muli %add3A_753, %mul3A_754 : i32
      %add3A_756 = arith.addi %mul3A_2, %mul3A_755 : i32
      %mul3A_757 = arith.constant 64 : i32
      %mul3A_758 = arith.muli %add3A_753, %mul3A_757 : i32
      %dma_wait3A_759 = arith.constant 2 : i32
      %dma_wait3A_760 = arith.constant 2 : i32
      %dma_wait3A_761 = arith.constant 0 : i32
      %dma_wait3A_762 = arith.constant 0 : i32
      %dma_wait3A_763 = tpu.memref_slice %arg7[%dma_wait3A_759, %dma_wait3A_761, %dma_wait3A_762] : memref<8x64x128xf32, #tpu.memory_space<vmem>> -> memref<1x64x128xf32, #tpu.memory_space<vmem>>
      %dma_wait3A_764 = tpu.memref_squeeze %dma_wait3A_763 : memref<1x64x128xf32, #tpu.memory_space<vmem>> -> memref<64x128xf32, #tpu.memory_space<vmem>>
      %dma_wait3A_765 = tpu.memref_slice %arg6[%mul3A_758] : memref<4096xi32, #tpu.memory_space<vmem>> -> memref<64xi32, #tpu.memory_space<vmem>>
      %dma_wait3A_766 = arith.constant 0 : i32
      %dma_wait3A_767 = arith.constant 0 : i32
      %dma_wait3A_768 = tpu.memref_slice %arg3[%dma_wait3A_766, %dma_wait3A_767] : memref<100000x128xf32, #tpu.memory_space<hbm>> -> memref<100000x128xf32, #tpu.memory_space<hbm>>
      %dma_wait3A_769 = tpu.memref_slice %arg10[%dma_wait3A_760] : memref<8x!tpu.dma_semaphore, #tpu.memory_space<semaphore_mem>> -> memref<1x!tpu.dma_semaphore, #tpu.memory_space<semaphore_mem>>
      %dma_wait3A_770 = tpu.memref_squeeze %dma_wait3A_769 : memref<1x!tpu.dma_semaphore, #tpu.memory_space<semaphore_mem>> -> memref<!tpu.dma_semaphore, #tpu.memory_space<semaphore_mem>>
      tpu.wait_indirect_dma semaphore(%dma_wait3A_770 : memref<!tpu.dma_semaphore, #tpu.memory_space<semaphore_mem>>) src(%dma_wait3A_768 : memref<100000x128xf32, #tpu.memory_space<hbm>>) dst(%dma_wait3A_764 : memref<64x128xf32, #tpu.memory_space<vmem>>)
      %dma_start3A_771 = arith.constant 2 : i32
      %dma_start3A_772 = arith.constant 2 : i32
      %dma_start3A_773 = arith.constant 0 : i32
      %dma_start3A_774 = arith.constant 0 : i32
      %dma_start3A_775 = tpu.memref_slice %arg7[%dma_start3A_771, %dma_start3A_773, %dma_start3A_774] : memref<8x64x128xf32, #tpu.memory_space<vmem>> -> memref<1x64x128xf32, #tpu.memory_space<vmem>>
      %dma_start3A_776 = tpu.memref_squeeze %dma_start3A_775 : memref<1x64x128xf32, #tpu.memory_space<vmem>> -> memref<64x128xf32, #tpu.memory_space<vmem>>
      %dma_start3A_777 = arith.constant 0 : i32
      %dma_start3A_778 = tpu.memref_slice %arg5[%add3A_756, %dma_start3A_777] : memref<131072x128xf32, #tpu.memory_space<hbm>> -> memref<64x128xf32, #tpu.memory_space<hbm>>
      %dma_start3A_779 = tpu.memref_slice %arg11[%dma_start3A_772] : memref<8x!tpu.dma_semaphore, #tpu.memory_space<semaphore_mem>> -> memref<1x!tpu.dma_semaphore, #tpu.memory_space<semaphore_mem>>
      %dma_start3A_780 = tpu.memref_squeeze %dma_start3A_779 : memref<1x!tpu.dma_semaphore, #tpu.memory_space<semaphore_mem>> -> memref<!tpu.dma_semaphore, #tpu.memory_space<semaphore_mem>>
      %dma_start3A_781 = arith.constant 0 : i32
      %dma_start3A_782 = tpu.memref_slice %arg5[%add3A_756, %dma_start3A_781] : memref<131072x128xf32, #tpu.memory_space<hbm>> -> memref<64x128xf32, #tpu.memory_space<hbm>>
      %dma_start3A_783 = arith.constant 0 : i32
      %dma_start3A_784 = arith.constant 0 : i32
      %dma_start3A_785 = tpu.memref_slice %arg7[%dma_start3A_771, %dma_start3A_783, %dma_start3A_784] : memref<8x64x128xf32, #tpu.memory_space<vmem>> -> memref<1x64x128xf32, #tpu.memory_space<vmem>>
      %dma_start3A_786 = tpu.memref_squeeze %dma_start3A_785 : memref<1x64x128xf32, #tpu.memory_space<vmem>> -> memref<64x128xf32, #tpu.memory_space<vmem>>
      tpu.enqueue_dma source(%dma_start3A_786 : memref<64x128xf32, #tpu.memory_space<vmem>>) target(%dma_start3A_782 : memref<64x128xf32, #tpu.memory_space<hbm>>) target_semaphore(%dma_start3A_780 : memref<!tpu.dma_semaphore, #tpu.memory_space<semaphore_mem>>)
      %add3A_787 = arith.constant 3 : i32
      %add3A_788 = arith.addi %add3A_197, %add3A_787 : i32
      %mul3A_789 = arith.constant 64 : i32
      %mul3A_790 = arith.muli %add3A_788, %mul3A_789 : i32
      %add3A_791 = arith.addi %mul3A_2, %mul3A_790 : i32
      %mul3A_792 = arith.constant 64 : i32
      %mul3A_793 = arith.muli %add3A_788, %mul3A_792 : i32
      %dma_wait3A_794 = arith.constant 3 : i32
      %dma_wait3A_795 = arith.constant 3 : i32
      %dma_wait3A_796 = arith.constant 0 : i32
      %dma_wait3A_797 = arith.constant 0 : i32
      %dma_wait3A_798 = tpu.memref_slice %arg7[%dma_wait3A_794, %dma_wait3A_796, %dma_wait3A_797] : memref<8x64x128xf32, #tpu.memory_space<vmem>> -> memref<1x64x128xf32, #tpu.memory_space<vmem>>
      %dma_wait3A_799 = tpu.memref_squeeze %dma_wait3A_798 : memref<1x64x128xf32, #tpu.memory_space<vmem>> -> memref<64x128xf32, #tpu.memory_space<vmem>>
      %dma_wait3A_800 = tpu.memref_slice %arg6[%mul3A_793] : memref<4096xi32, #tpu.memory_space<vmem>> -> memref<64xi32, #tpu.memory_space<vmem>>
      %dma_wait3A_801 = arith.constant 0 : i32
      %dma_wait3A_802 = arith.constant 0 : i32
      %dma_wait3A_803 = tpu.memref_slice %arg3[%dma_wait3A_801, %dma_wait3A_802] : memref<100000x128xf32, #tpu.memory_space<hbm>> -> memref<100000x128xf32, #tpu.memory_space<hbm>>
      %dma_wait3A_804 = tpu.memref_slice %arg10[%dma_wait3A_795] : memref<8x!tpu.dma_semaphore, #tpu.memory_space<semaphore_mem>> -> memref<1x!tpu.dma_semaphore, #tpu.memory_space<semaphore_mem>>
      %dma_wait3A_805 = tpu.memref_squeeze %dma_wait3A_804 : memref<1x!tpu.dma_semaphore, #tpu.memory_space<semaphore_mem>> -> memref<!tpu.dma_semaphore, #tpu.memory_space<semaphore_mem>>
      tpu.wait_indirect_dma semaphore(%dma_wait3A_805 : memref<!tpu.dma_semaphore, #tpu.memory_space<semaphore_mem>>) src(%dma_wait3A_803 : memref<100000x128xf32, #tpu.memory_space<hbm>>) dst(%dma_wait3A_799 : memref<64x128xf32, #tpu.memory_space<vmem>>)
      %dma_start3A_806 = arith.constant 3 : i32
      %dma_start3A_807 = arith.constant 3 : i32
      %dma_start3A_808 = arith.constant 0 : i32
      %dma_start3A_809 = arith.constant 0 : i32
      %dma_start3A_810 = tpu.memref_slice %arg7[%dma_start3A_806, %dma_start3A_808, %dma_start3A_809] : memref<8x64x128xf32, #tpu.memory_space<vmem>> -> memref<1x64x128xf32, #tpu.memory_space<vmem>>
      %dma_start3A_811 = tpu.memref_squeeze %dma_start3A_810 : memref<1x64x128xf32, #tpu.memory_space<vmem>> -> memref<64x128xf32, #tpu.memory_space<vmem>>
      %dma_start3A_812 = arith.constant 0 : i32
      %dma_start3A_813 = tpu.memref_slice %arg5[%add3A_791, %dma_start3A_812] : memref<131072x128xf32, #tpu.memory_space<hbm>> -> memref<64x128xf32, #tpu.memory_space<hbm>>
      %dma_start3A_814 = tpu.memref_slice %arg11[%dma_start3A_807] : memref<8x!tpu.dma_semaphore, #tpu.memory_space<semaphore_mem>> -> memref<1x!tpu.dma_semaphore, #tpu.memory_space<semaphore_mem>>
      %dma_start3A_815 = tpu.memref_squeeze %dma_start3A_814 : memref<1x!tpu.dma_semaphore, #tpu.memory_space<semaphore_mem>> -> memref<!tpu.dma_semaphore, #tpu.memory_space<semaphore_mem>>
      %dma_start3A_816 = arith.constant 0 : i32
      %dma_start3A_817 = tpu.memref_slice %arg5[%add3A_791, %dma_start3A_816] : memref<131072x128xf32, #tpu.memory_space<hbm>> -> memref<64x128xf32, #tpu.memory_space<hbm>>
      %dma_start3A_818 = arith.constant 0 : i32
      %dma_start3A_819 = arith.constant 0 : i32
      %dma_start3A_820 = tpu.memref_slice %arg7[%dma_start3A_806, %dma_start3A_818, %dma_start3A_819] : memref<8x64x128xf32, #tpu.memory_space<vmem>> -> memref<1x64x128xf32, #tpu.memory_space<vmem>>
      %dma_start3A_821 = tpu.memref_squeeze %dma_start3A_820 : memref<1x64x128xf32, #tpu.memory_space<vmem>> -> memref<64x128xf32, #tpu.memory_space<vmem>>
      tpu.enqueue_dma source(%dma_start3A_821 : memref<64x128xf32, #tpu.memory_space<vmem>>) target(%dma_start3A_817 : memref<64x128xf32, #tpu.memory_space<hbm>>) target_semaphore(%dma_start3A_815 : memref<!tpu.dma_semaphore, #tpu.memory_space<semaphore_mem>>)
      %add3A_822 = arith.constant 4 : i32
      %add3A_823 = arith.addi %add3A_197, %add3A_822 : i32
      %mul3A_824 = arith.constant 64 : i32
      %mul3A_825 = arith.muli %add3A_823, %mul3A_824 : i32
      %add3A_826 = arith.addi %mul3A_2, %mul3A_825 : i32
      %mul3A_827 = arith.constant 64 : i32
      %mul3A_828 = arith.muli %add3A_823, %mul3A_827 : i32
      %dma_wait3A_829 = arith.constant 4 : i32
      %dma_wait3A_830 = arith.constant 4 : i32
      %dma_wait3A_831 = arith.constant 0 : i32
      %dma_wait3A_832 = arith.constant 0 : i32
      %dma_wait3A_833 = tpu.memref_slice %arg7[%dma_wait3A_829, %dma_wait3A_831, %dma_wait3A_832] : memref<8x64x128xf32, #tpu.memory_space<vmem>> -> memref<1x64x128xf32, #tpu.memory_space<vmem>>
      %dma_wait3A_834 = tpu.memref_squeeze %dma_wait3A_833 : memref<1x64x128xf32, #tpu.memory_space<vmem>> -> memref<64x128xf32, #tpu.memory_space<vmem>>
      %dma_wait3A_835 = tpu.memref_slice %arg6[%mul3A_828] : memref<4096xi32, #tpu.memory_space<vmem>> -> memref<64xi32, #tpu.memory_space<vmem>>
      %dma_wait3A_836 = arith.constant 0 : i32
      %dma_wait3A_837 = arith.constant 0 : i32
      %dma_wait3A_838 = tpu.memref_slice %arg3[%dma_wait3A_836, %dma_wait3A_837] : memref<100000x128xf32, #tpu.memory_space<hbm>> -> memref<100000x128xf32, #tpu.memory_space<hbm>>
      %dma_wait3A_839 = tpu.memref_slice %arg10[%dma_wait3A_830] : memref<8x!tpu.dma_semaphore, #tpu.memory_space<semaphore_mem>> -> memref<1x!tpu.dma_semaphore, #tpu.memory_space<semaphore_mem>>
      %dma_wait3A_840 = tpu.memref_squeeze %dma_wait3A_839 : memref<1x!tpu.dma_semaphore, #tpu.memory_space<semaphore_mem>> -> memref<!tpu.dma_semaphore, #tpu.memory_space<semaphore_mem>>
      tpu.wait_indirect_dma semaphore(%dma_wait3A_840 : memref<!tpu.dma_semaphore, #tpu.memory_space<semaphore_mem>>) src(%dma_wait3A_838 : memref<100000x128xf32, #tpu.memory_space<hbm>>) dst(%dma_wait3A_834 : memref<64x128xf32, #tpu.memory_space<vmem>>)
      %dma_start3A_841 = arith.constant 4 : i32
      %dma_start3A_842 = arith.constant 4 : i32
      %dma_start3A_843 = arith.constant 0 : i32
      %dma_start3A_844 = arith.constant 0 : i32
      %dma_start3A_845 = tpu.memref_slice %arg7[%dma_start3A_841, %dma_start3A_843, %dma_start3A_844] : memref<8x64x128xf32, #tpu.memory_space<vmem>> -> memref<1x64x128xf32, #tpu.memory_space<vmem>>
      %dma_start3A_846 = tpu.memref_squeeze %dma_start3A_845 : memref<1x64x128xf32, #tpu.memory_space<vmem>> -> memref<64x128xf32, #tpu.memory_space<vmem>>
      %dma_start3A_847 = arith.constant 0 : i32
      %dma_start3A_848 = tpu.memref_slice %arg5[%add3A_826, %dma_start3A_847] : memref<131072x128xf32, #tpu.memory_space<hbm>> -> memref<64x128xf32, #tpu.memory_space<hbm>>
      %dma_start3A_849 = tpu.memref_slice %arg11[%dma_start3A_842] : memref<8x!tpu.dma_semaphore, #tpu.memory_space<semaphore_mem>> -> memref<1x!tpu.dma_semaphore, #tpu.memory_space<semaphore_mem>>
      %dma_start3A_850 = tpu.memref_squeeze %dma_start3A_849 : memref<1x!tpu.dma_semaphore, #tpu.memory_space<semaphore_mem>> -> memref<!tpu.dma_semaphore, #tpu.memory_space<semaphore_mem>>
      %dma_start3A_851 = arith.constant 0 : i32
      %dma_start3A_852 = tpu.memref_slice %arg5[%add3A_826, %dma_start3A_851] : memref<131072x128xf32, #tpu.memory_space<hbm>> -> memref<64x128xf32, #tpu.memory_space<hbm>>
      %dma_start3A_853 = arith.constant 0 : i32
      %dma_start3A_854 = arith.constant 0 : i32
      %dma_start3A_855 = tpu.memref_slice %arg7[%dma_start3A_841, %dma_start3A_853, %dma_start3A_854] : memref<8x64x128xf32, #tpu.memory_space<vmem>> -> memref<1x64x128xf32, #tpu.memory_space<vmem>>
      %dma_start3A_856 = tpu.memref_squeeze %dma_start3A_855 : memref<1x64x128xf32, #tpu.memory_space<vmem>> -> memref<64x128xf32, #tpu.memory_space<vmem>>
      tpu.enqueue_dma source(%dma_start3A_856 : memref<64x128xf32, #tpu.memory_space<vmem>>) target(%dma_start3A_852 : memref<64x128xf32, #tpu.memory_space<hbm>>) target_semaphore(%dma_start3A_850 : memref<!tpu.dma_semaphore, #tpu.memory_space<semaphore_mem>>)
      %add3A_857 = arith.constant 5 : i32
      %add3A_858 = arith.addi %add3A_197, %add3A_857 : i32
      %mul3A_859 = arith.constant 64 : i32
      %mul3A_860 = arith.muli %add3A_858, %mul3A_859 : i32
      %add3A_861 = arith.addi %mul3A_2, %mul3A_860 : i32
      %mul3A_862 = arith.constant 64 : i32
      %mul3A_863 = arith.muli %add3A_858, %mul3A_862 : i32
      %dma_wait3A_864 = arith.constant 5 : i32
      %dma_wait3A_865 = arith.constant 5 : i32
      %dma_wait3A_866 = arith.constant 0 : i32
      %dma_wait3A_867 = arith.constant 0 : i32
      %dma_wait3A_868 = tpu.memref_slice %arg7[%dma_wait3A_864, %dma_wait3A_866, %dma_wait3A_867] : memref<8x64x128xf32, #tpu.memory_space<vmem>> -> memref<1x64x128xf32, #tpu.memory_space<vmem>>
      %dma_wait3A_869 = tpu.memref_squeeze %dma_wait3A_868 : memref<1x64x128xf32, #tpu.memory_space<vmem>> -> memref<64x128xf32, #tpu.memory_space<vmem>>
      %dma_wait3A_870 = tpu.memref_slice %arg6[%mul3A_863] : memref<4096xi32, #tpu.memory_space<vmem>> -> memref<64xi32, #tpu.memory_space<vmem>>
      %dma_wait3A_871 = arith.constant 0 : i32
      %dma_wait3A_872 = arith.constant 0 : i32
      %dma_wait3A_873 = tpu.memref_slice %arg3[%dma_wait3A_871, %dma_wait3A_872] : memref<100000x128xf32, #tpu.memory_space<hbm>> -> memref<100000x128xf32, #tpu.memory_space<hbm>>
      %dma_wait3A_874 = tpu.memref_slice %arg10[%dma_wait3A_865] : memref<8x!tpu.dma_semaphore, #tpu.memory_space<semaphore_mem>> -> memref<1x!tpu.dma_semaphore, #tpu.memory_space<semaphore_mem>>
      %dma_wait3A_875 = tpu.memref_squeeze %dma_wait3A_874 : memref<1x!tpu.dma_semaphore, #tpu.memory_space<semaphore_mem>> -> memref<!tpu.dma_semaphore, #tpu.memory_space<semaphore_mem>>
      tpu.wait_indirect_dma semaphore(%dma_wait3A_875 : memref<!tpu.dma_semaphore, #tpu.memory_space<semaphore_mem>>) src(%dma_wait3A_873 : memref<100000x128xf32, #tpu.memory_space<hbm>>) dst(%dma_wait3A_869 : memref<64x128xf32, #tpu.memory_space<vmem>>)
      %dma_start3A_876 = arith.constant 5 : i32
      %dma_start3A_877 = arith.constant 5 : i32
      %dma_start3A_878 = arith.constant 0 : i32
      %dma_start3A_879 = arith.constant 0 : i32
      %dma_start3A_880 = tpu.memref_slice %arg7[%dma_start3A_876, %dma_start3A_878, %dma_start3A_879] : memref<8x64x128xf32, #tpu.memory_space<vmem>> -> memref<1x64x128xf32, #tpu.memory_space<vmem>>
      %dma_start3A_881 = tpu.memref_squeeze %dma_start3A_880 : memref<1x64x128xf32, #tpu.memory_space<vmem>> -> memref<64x128xf32, #tpu.memory_space<vmem>>
      %dma_start3A_882 = arith.constant 0 : i32
      %dma_start3A_883 = tpu.memref_slice %arg5[%add3A_861, %dma_start3A_882] : memref<131072x128xf32, #tpu.memory_space<hbm>> -> memref<64x128xf32, #tpu.memory_space<hbm>>
      %dma_start3A_884 = tpu.memref_slice %arg11[%dma_start3A_877] : memref<8x!tpu.dma_semaphore, #tpu.memory_space<semaphore_mem>> -> memref<1x!tpu.dma_semaphore, #tpu.memory_space<semaphore_mem>>
      %dma_start3A_885 = tpu.memref_squeeze %dma_start3A_884 : memref<1x!tpu.dma_semaphore, #tpu.memory_space<semaphore_mem>> -> memref<!tpu.dma_semaphore, #tpu.memory_space<semaphore_mem>>
      %dma_start3A_886 = arith.constant 0 : i32
      %dma_start3A_887 = tpu.memref_slice %arg5[%add3A_861, %dma_start3A_886] : memref<131072x128xf32, #tpu.memory_space<hbm>> -> memref<64x128xf32, #tpu.memory_space<hbm>>
      %dma_start3A_888 = arith.constant 0 : i32
      %dma_start3A_889 = arith.constant 0 : i32
      %dma_start3A_890 = tpu.memref_slice %arg7[%dma_start3A_876, %dma_start3A_888, %dma_start3A_889] : memref<8x64x128xf32, #tpu.memory_space<vmem>> -> memref<1x64x128xf32, #tpu.memory_space<vmem>>
      %dma_start3A_891 = tpu.memref_squeeze %dma_start3A_890 : memref<1x64x128xf32, #tpu.memory_space<vmem>> -> memref<64x128xf32, #tpu.memory_space<vmem>>
      tpu.enqueue_dma source(%dma_start3A_891 : memref<64x128xf32, #tpu.memory_space<vmem>>) target(%dma_start3A_887 : memref<64x128xf32, #tpu.memory_space<hbm>>) target_semaphore(%dma_start3A_885 : memref<!tpu.dma_semaphore, #tpu.memory_space<semaphore_mem>>)
      %add3A_892 = arith.constant 6 : i32
      %add3A_893 = arith.addi %add3A_197, %add3A_892 : i32
      %mul3A_894 = arith.constant 64 : i32
      %mul3A_895 = arith.muli %add3A_893, %mul3A_894 : i32
      %add3A_896 = arith.addi %mul3A_2, %mul3A_895 : i32
      %mul3A_897 = arith.constant 64 : i32
      %mul3A_898 = arith.muli %add3A_893, %mul3A_897 : i32
      %dma_wait3A_899 = arith.constant 6 : i32
      %dma_wait3A_900 = arith.constant 6 : i32
      %dma_wait3A_901 = arith.constant 0 : i32
      %dma_wait3A_902 = arith.constant 0 : i32
      %dma_wait3A_903 = tpu.memref_slice %arg7[%dma_wait3A_899, %dma_wait3A_901, %dma_wait3A_902] : memref<8x64x128xf32, #tpu.memory_space<vmem>> -> memref<1x64x128xf32, #tpu.memory_space<vmem>>
      %dma_wait3A_904 = tpu.memref_squeeze %dma_wait3A_903 : memref<1x64x128xf32, #tpu.memory_space<vmem>> -> memref<64x128xf32, #tpu.memory_space<vmem>>
      %dma_wait3A_905 = tpu.memref_slice %arg6[%mul3A_898] : memref<4096xi32, #tpu.memory_space<vmem>> -> memref<64xi32, #tpu.memory_space<vmem>>
      %dma_wait3A_906 = arith.constant 0 : i32
      %dma_wait3A_907 = arith.constant 0 : i32
      %dma_wait3A_908 = tpu.memref_slice %arg3[%dma_wait3A_906, %dma_wait3A_907] : memref<100000x128xf32, #tpu.memory_space<hbm>> -> memref<100000x128xf32, #tpu.memory_space<hbm>>
      %dma_wait3A_909 = tpu.memref_slice %arg10[%dma_wait3A_900] : memref<8x!tpu.dma_semaphore, #tpu.memory_space<semaphore_mem>> -> memref<1x!tpu.dma_semaphore, #tpu.memory_space<semaphore_mem>>
      %dma_wait3A_910 = tpu.memref_squeeze %dma_wait3A_909 : memref<1x!tpu.dma_semaphore, #tpu.memory_space<semaphore_mem>> -> memref<!tpu.dma_semaphore, #tpu.memory_space<semaphore_mem>>
      tpu.wait_indirect_dma semaphore(%dma_wait3A_910 : memref<!tpu.dma_semaphore, #tpu.memory_space<semaphore_mem>>) src(%dma_wait3A_908 : memref<100000x128xf32, #tpu.memory_space<hbm>>) dst(%dma_wait3A_904 : memref<64x128xf32, #tpu.memory_space<vmem>>)
      %dma_start3A_911 = arith.constant 6 : i32
      %dma_start3A_912 = arith.constant 6 : i32
      %dma_start3A_913 = arith.constant 0 : i32
      %dma_start3A_914 = arith.constant 0 : i32
      %dma_start3A_915 = tpu.memref_slice %arg7[%dma_start3A_911, %dma_start3A_913, %dma_start3A_914] : memref<8x64x128xf32, #tpu.memory_space<vmem>> -> memref<1x64x128xf32, #tpu.memory_space<vmem>>
      %dma_start3A_916 = tpu.memref_squeeze %dma_start3A_915 : memref<1x64x128xf32, #tpu.memory_space<vmem>> -> memref<64x128xf32, #tpu.memory_space<vmem>>
      %dma_start3A_917 = arith.constant 0 : i32
      %dma_start3A_918 = tpu.memref_slice %arg5[%add3A_896, %dma_start3A_917] : memref<131072x128xf32, #tpu.memory_space<hbm>> -> memref<64x128xf32, #tpu.memory_space<hbm>>
      %dma_start3A_919 = tpu.memref_slice %arg11[%dma_start3A_912] : memref<8x!tpu.dma_semaphore, #tpu.memory_space<semaphore_mem>> -> memref<1x!tpu.dma_semaphore, #tpu.memory_space<semaphore_mem>>
      %dma_start3A_920 = tpu.memref_squeeze %dma_start3A_919 : memref<1x!tpu.dma_semaphore, #tpu.memory_space<semaphore_mem>> -> memref<!tpu.dma_semaphore, #tpu.memory_space<semaphore_mem>>
      %dma_start3A_921 = arith.constant 0 : i32
      %dma_start3A_922 = tpu.memref_slice %arg5[%add3A_896, %dma_start3A_921] : memref<131072x128xf32, #tpu.memory_space<hbm>> -> memref<64x128xf32, #tpu.memory_space<hbm>>
      %dma_start3A_923 = arith.constant 0 : i32
      %dma_start3A_924 = arith.constant 0 : i32
      %dma_start3A_925 = tpu.memref_slice %arg7[%dma_start3A_911, %dma_start3A_923, %dma_start3A_924] : memref<8x64x128xf32, #tpu.memory_space<vmem>> -> memref<1x64x128xf32, #tpu.memory_space<vmem>>
      %dma_start3A_926 = tpu.memref_squeeze %dma_start3A_925 : memref<1x64x128xf32, #tpu.memory_space<vmem>> -> memref<64x128xf32, #tpu.memory_space<vmem>>
      tpu.enqueue_dma source(%dma_start3A_926 : memref<64x128xf32, #tpu.memory_space<vmem>>) target(%dma_start3A_922 : memref<64x128xf32, #tpu.memory_space<hbm>>) target_semaphore(%dma_start3A_920 : memref<!tpu.dma_semaphore, #tpu.memory_space<semaphore_mem>>)
      %add3A_927 = arith.constant 7 : i32
      %add3A_928 = arith.addi %add3A_197, %add3A_927 : i32
      %mul3A_929 = arith.constant 64 : i32
      %mul3A_930 = arith.muli %add3A_928, %mul3A_929 : i32
      %add3A_931 = arith.addi %mul3A_2, %mul3A_930 : i32
      %mul3A_932 = arith.constant 64 : i32
      %mul3A_933 = arith.muli %add3A_928, %mul3A_932 : i32
      %dma_wait3A_934 = arith.constant 7 : i32
      %dma_wait3A_935 = arith.constant 7 : i32
      %dma_wait3A_936 = arith.constant 0 : i32
      %dma_wait3A_937 = arith.constant 0 : i32
      %dma_wait3A_938 = tpu.memref_slice %arg7[%dma_wait3A_934, %dma_wait3A_936, %dma_wait3A_937] : memref<8x64x128xf32, #tpu.memory_space<vmem>> -> memref<1x64x128xf32, #tpu.memory_space<vmem>>
      %dma_wait3A_939 = tpu.memref_squeeze %dma_wait3A_938 : memref<1x64x128xf32, #tpu.memory_space<vmem>> -> memref<64x128xf32, #tpu.memory_space<vmem>>
      %dma_wait3A_940 = tpu.memref_slice %arg6[%mul3A_933] : memref<4096xi32, #tpu.memory_space<vmem>> -> memref<64xi32, #tpu.memory_space<vmem>>
      %dma_wait3A_941 = arith.constant 0 : i32
      %dma_wait3A_942 = arith.constant 0 : i32
      %dma_wait3A_943 = tpu.memref_slice %arg3[%dma_wait3A_941, %dma_wait3A_942] : memref<100000x128xf32, #tpu.memory_space<hbm>> -> memref<100000x128xf32, #tpu.memory_space<hbm>>
      %dma_wait3A_944 = tpu.memref_slice %arg10[%dma_wait3A_935] : memref<8x!tpu.dma_semaphore, #tpu.memory_space<semaphore_mem>> -> memref<1x!tpu.dma_semaphore, #tpu.memory_space<semaphore_mem>>
      %dma_wait3A_945 = tpu.memref_squeeze %dma_wait3A_944 : memref<1x!tpu.dma_semaphore, #tpu.memory_space<semaphore_mem>> -> memref<!tpu.dma_semaphore, #tpu.memory_space<semaphore_mem>>
      tpu.wait_indirect_dma semaphore(%dma_wait3A_945 : memref<!tpu.dma_semaphore, #tpu.memory_space<semaphore_mem>>) src(%dma_wait3A_943 : memref<100000x128xf32, #tpu.memory_space<hbm>>) dst(%dma_wait3A_939 : memref<64x128xf32, #tpu.memory_space<vmem>>)
      %dma_start3A_946 = arith.constant 7 : i32
      %dma_start3A_947 = arith.constant 7 : i32
      %dma_start3A_948 = arith.constant 0 : i32
      %dma_start3A_949 = arith.constant 0 : i32
      %dma_start3A_950 = tpu.memref_slice %arg7[%dma_start3A_946, %dma_start3A_948, %dma_start3A_949] : memref<8x64x128xf32, #tpu.memory_space<vmem>> -> memref<1x64x128xf32, #tpu.memory_space<vmem>>
      %dma_start3A_951 = tpu.memref_squeeze %dma_start3A_950 : memref<1x64x128xf32, #tpu.memory_space<vmem>> -> memref<64x128xf32, #tpu.memory_space<vmem>>
      %dma_start3A_952 = arith.constant 0 : i32
      %dma_start3A_953 = tpu.memref_slice %arg5[%add3A_931, %dma_start3A_952] : memref<131072x128xf32, #tpu.memory_space<hbm>> -> memref<64x128xf32, #tpu.memory_space<hbm>>
      %dma_start3A_954 = tpu.memref_slice %arg11[%dma_start3A_947] : memref<8x!tpu.dma_semaphore, #tpu.memory_space<semaphore_mem>> -> memref<1x!tpu.dma_semaphore, #tpu.memory_space<semaphore_mem>>
      %dma_start3A_955 = tpu.memref_squeeze %dma_start3A_954 : memref<1x!tpu.dma_semaphore, #tpu.memory_space<semaphore_mem>> -> memref<!tpu.dma_semaphore, #tpu.memory_space<semaphore_mem>>
      %dma_start3A_956 = arith.constant 0 : i32
      %dma_start3A_957 = tpu.memref_slice %arg5[%add3A_931, %dma_start3A_956] : memref<131072x128xf32, #tpu.memory_space<hbm>> -> memref<64x128xf32, #tpu.memory_space<hbm>>
      %dma_start3A_958 = arith.constant 0 : i32
      %dma_start3A_959 = arith.constant 0 : i32
      %dma_start3A_960 = tpu.memref_slice %arg7[%dma_start3A_946, %dma_start3A_958, %dma_start3A_959] : memref<8x64x128xf32, #tpu.memory_space<vmem>> -> memref<1x64x128xf32, #tpu.memory_space<vmem>>
      %dma_start3A_961 = tpu.memref_squeeze %dma_start3A_960 : memref<1x64x128xf32, #tpu.memory_space<vmem>> -> memref<64x128xf32, #tpu.memory_space<vmem>>
      tpu.enqueue_dma source(%dma_start3A_961 : memref<64x128xf32, #tpu.memory_space<vmem>>) target(%dma_start3A_957 : memref<64x128xf32, #tpu.memory_space<hbm>>) target_semaphore(%dma_start3A_955 : memref<!tpu.dma_semaphore, #tpu.memory_space<semaphore_mem>>)
    }
    %scan3A_64 = arith.constant 8 : i32
    %dma_wait3A_65 = arith.constant 0 : i32
    %dma_wait3A_66 = arith.constant 0 : i32
    %dma_wait3A_67 = arith.constant 0 : i32
    %dma_wait3A_68 = arith.constant 0 : i32
    %dma_wait3A_69 = tpu.memref_slice %arg7[%dma_wait3A_65, %dma_wait3A_67, %dma_wait3A_68] : memref<8x64x128xf32, #tpu.memory_space<vmem>> -> memref<1x64x128xf32, #tpu.memory_space<vmem>>
    %dma_wait3A_70 = tpu.memref_squeeze %dma_wait3A_69 : memref<1x64x128xf32, #tpu.memory_space<vmem>> -> memref<64x128xf32, #tpu.memory_space<vmem>>
    %dma_wait3A_71 = arith.constant 0 : i32
    %dma_wait3A_72 = tpu.memref_slice %arg5[%mul3A_2, %dma_wait3A_71] : memref<131072x128xf32, #tpu.memory_space<hbm>> -> memref<64x128xf32, #tpu.memory_space<hbm>>
    %dma_wait3A_73 = tpu.memref_slice %arg11[%dma_wait3A_66] : memref<8x!tpu.dma_semaphore, #tpu.memory_space<semaphore_mem>> -> memref<1x!tpu.dma_semaphore, #tpu.memory_space<semaphore_mem>>
    %dma_wait3A_74 = tpu.memref_squeeze %dma_wait3A_73 : memref<1x!tpu.dma_semaphore, #tpu.memory_space<semaphore_mem>> -> memref<!tpu.dma_semaphore, #tpu.memory_space<semaphore_mem>>
    %dma_wait3A_75 = arith.constant 0 : i32
    %dma_wait3A_76 = tpu.memref_slice %arg5[%mul3A_2, %dma_wait3A_75] : memref<131072x128xf32, #tpu.memory_space<hbm>> -> memref<64x128xf32, #tpu.memory_space<hbm>>
    %dma_wait3A_77 = arith.constant 0 : i32
    %dma_wait3A_78 = arith.constant 0 : i32
    %dma_wait3A_79 = tpu.memref_slice %arg7[%dma_wait3A_65, %dma_wait3A_77, %dma_wait3A_78] : memref<8x64x128xf32, #tpu.memory_space<vmem>> -> memref<1x64x128xf32, #tpu.memory_space<vmem>>
    %dma_wait3A_80 = tpu.memref_squeeze %dma_wait3A_79 : memref<1x64x128xf32, #tpu.memory_space<vmem>> -> memref<64x128xf32, #tpu.memory_space<vmem>>
    tpu.wait_dma2 semaphore(%dma_wait3A_74 : memref<!tpu.dma_semaphore, #tpu.memory_space<semaphore_mem>>) src(%dma_wait3A_80 : memref<64x128xf32, #tpu.memory_space<vmem>>) dst(%dma_wait3A_76 : memref<64x128xf32, #tpu.memory_space<hbm>>)
    %dma_wait3A_81 = arith.constant 1 : i32
    %dma_wait3A_82 = arith.constant 1 : i32
    %dma_wait3A_83 = arith.constant 0 : i32
    %dma_wait3A_84 = arith.constant 0 : i32
    %dma_wait3A_85 = tpu.memref_slice %arg7[%dma_wait3A_81, %dma_wait3A_83, %dma_wait3A_84] : memref<8x64x128xf32, #tpu.memory_space<vmem>> -> memref<1x64x128xf32, #tpu.memory_space<vmem>>
    %dma_wait3A_86 = tpu.memref_squeeze %dma_wait3A_85 : memref<1x64x128xf32, #tpu.memory_space<vmem>> -> memref<64x128xf32, #tpu.memory_space<vmem>>
    %dma_wait3A_87 = arith.constant 0 : i32
    %dma_wait3A_88 = tpu.memref_slice %arg5[%mul3A_2, %dma_wait3A_87] : memref<131072x128xf32, #tpu.memory_space<hbm>> -> memref<64x128xf32, #tpu.memory_space<hbm>>
    %dma_wait3A_89 = tpu.memref_slice %arg11[%dma_wait3A_82] : memref<8x!tpu.dma_semaphore, #tpu.memory_space<semaphore_mem>> -> memref<1x!tpu.dma_semaphore, #tpu.memory_space<semaphore_mem>>
    %dma_wait3A_90 = tpu.memref_squeeze %dma_wait3A_89 : memref<1x!tpu.dma_semaphore, #tpu.memory_space<semaphore_mem>> -> memref<!tpu.dma_semaphore, #tpu.memory_space<semaphore_mem>>
    %dma_wait3A_91 = arith.constant 0 : i32
    %dma_wait3A_92 = tpu.memref_slice %arg5[%mul3A_2, %dma_wait3A_91] : memref<131072x128xf32, #tpu.memory_space<hbm>> -> memref<64x128xf32, #tpu.memory_space<hbm>>
    %dma_wait3A_93 = arith.constant 0 : i32
    %dma_wait3A_94 = arith.constant 0 : i32
    %dma_wait3A_95 = tpu.memref_slice %arg7[%dma_wait3A_81, %dma_wait3A_93, %dma_wait3A_94] : memref<8x64x128xf32, #tpu.memory_space<vmem>> -> memref<1x64x128xf32, #tpu.memory_space<vmem>>
    %dma_wait3A_96 = tpu.memref_squeeze %dma_wait3A_95 : memref<1x64x128xf32, #tpu.memory_space<vmem>> -> memref<64x128xf32, #tpu.memory_space<vmem>>
    tpu.wait_dma2 semaphore(%dma_wait3A_90 : memref<!tpu.dma_semaphore, #tpu.memory_space<semaphore_mem>>) src(%dma_wait3A_96 : memref<64x128xf32, #tpu.memory_space<vmem>>) dst(%dma_wait3A_92 : memref<64x128xf32, #tpu.memory_space<hbm>>)
    %dma_wait3A_97 = arith.constant 2 : i32
    %dma_wait3A_98 = arith.constant 2 : i32
    %dma_wait3A_99 = arith.constant 0 : i32
    %dma_wait3A_100 = arith.constant 0 : i32
    %dma_wait3A_101 = tpu.memref_slice %arg7[%dma_wait3A_97, %dma_wait3A_99, %dma_wait3A_100] : memref<8x64x128xf32, #tpu.memory_space<vmem>> -> memref<1x64x128xf32, #tpu.memory_space<vmem>>
    %dma_wait3A_102 = tpu.memref_squeeze %dma_wait3A_101 : memref<1x64x128xf32, #tpu.memory_space<vmem>> -> memref<64x128xf32, #tpu.memory_space<vmem>>
    %dma_wait3A_103 = arith.constant 0 : i32
    %dma_wait3A_104 = tpu.memref_slice %arg5[%mul3A_2, %dma_wait3A_103] : memref<131072x128xf32, #tpu.memory_space<hbm>> -> memref<64x128xf32, #tpu.memory_space<hbm>>
    %dma_wait3A_105 = tpu.memref_slice %arg11[%dma_wait3A_98] : memref<8x!tpu.dma_semaphore, #tpu.memory_space<semaphore_mem>> -> memref<1x!tpu.dma_semaphore, #tpu.memory_space<semaphore_mem>>
    %dma_wait3A_106 = tpu.memref_squeeze %dma_wait3A_105 : memref<1x!tpu.dma_semaphore, #tpu.memory_space<semaphore_mem>> -> memref<!tpu.dma_semaphore, #tpu.memory_space<semaphore_mem>>
    %dma_wait3A_107 = arith.constant 0 : i32
    %dma_wait3A_108 = tpu.memref_slice %arg5[%mul3A_2, %dma_wait3A_107] : memref<131072x128xf32, #tpu.memory_space<hbm>> -> memref<64x128xf32, #tpu.memory_space<hbm>>
    %dma_wait3A_109 = arith.constant 0 : i32
    %dma_wait3A_110 = arith.constant 0 : i32
    %dma_wait3A_111 = tpu.memref_slice %arg7[%dma_wait3A_97, %dma_wait3A_109, %dma_wait3A_110] : memref<8x64x128xf32, #tpu.memory_space<vmem>> -> memref<1x64x128xf32, #tpu.memory_space<vmem>>
    %dma_wait3A_112 = tpu.memref_squeeze %dma_wait3A_111 : memref<1x64x128xf32, #tpu.memory_space<vmem>> -> memref<64x128xf32, #tpu.memory_space<vmem>>
    tpu.wait_dma2 semaphore(%dma_wait3A_106 : memref<!tpu.dma_semaphore, #tpu.memory_space<semaphore_mem>>) src(%dma_wait3A_112 : memref<64x128xf32, #tpu.memory_space<vmem>>) dst(%dma_wait3A_108 : memref<64x128xf32, #tpu.memory_space<hbm>>)
    %dma_wait3A_113 = arith.constant 3 : i32
    %dma_wait3A_114 = arith.constant 3 : i32
    %dma_wait3A_115 = arith.constant 0 : i32
    %dma_wait3A_116 = arith.constant 0 : i32
    %dma_wait3A_117 = tpu.memref_slice %arg7[%dma_wait3A_113, %dma_wait3A_115, %dma_wait3A_116] : memref<8x64x128xf32, #tpu.memory_space<vmem>> -> memref<1x64x128xf32, #tpu.memory_space<vmem>>
    %dma_wait3A_118 = tpu.memref_squeeze %dma_wait3A_117 : memref<1x64x128xf32, #tpu.memory_space<vmem>> -> memref<64x128xf32, #tpu.memory_space<vmem>>
    %dma_wait3A_119 = arith.constant 0 : i32
    %dma_wait3A_120 = tpu.memref_slice %arg5[%mul3A_2, %dma_wait3A_119] : memref<131072x128xf32, #tpu.memory_space<hbm>> -> memref<64x128xf32, #tpu.memory_space<hbm>>
    %dma_wait3A_121 = tpu.memref_slice %arg11[%dma_wait3A_114] : memref<8x!tpu.dma_semaphore, #tpu.memory_space<semaphore_mem>> -> memref<1x!tpu.dma_semaphore, #tpu.memory_space<semaphore_mem>>
    %dma_wait3A_122 = tpu.memref_squeeze %dma_wait3A_121 : memref<1x!tpu.dma_semaphore, #tpu.memory_space<semaphore_mem>> -> memref<!tpu.dma_semaphore, #tpu.memory_space<semaphore_mem>>
    %dma_wait3A_123 = arith.constant 0 : i32
    %dma_wait3A_124 = tpu.memref_slice %arg5[%mul3A_2, %dma_wait3A_123] : memref<131072x128xf32, #tpu.memory_space<hbm>> -> memref<64x128xf32, #tpu.memory_space<hbm>>
    %dma_wait3A_125 = arith.constant 0 : i32
    %dma_wait3A_126 = arith.constant 0 : i32
    %dma_wait3A_127 = tpu.memref_slice %arg7[%dma_wait3A_113, %dma_wait3A_125, %dma_wait3A_126] : memref<8x64x128xf32, #tpu.memory_space<vmem>> -> memref<1x64x128xf32, #tpu.memory_space<vmem>>
    %dma_wait3A_128 = tpu.memref_squeeze %dma_wait3A_127 : memref<1x64x128xf32, #tpu.memory_space<vmem>> -> memref<64x128xf32, #tpu.memory_space<vmem>>
    tpu.wait_dma2 semaphore(%dma_wait3A_122 : memref<!tpu.dma_semaphore, #tpu.memory_space<semaphore_mem>>) src(%dma_wait3A_128 : memref<64x128xf32, #tpu.memory_space<vmem>>) dst(%dma_wait3A_124 : memref<64x128xf32, #tpu.memory_space<hbm>>)
    %dma_wait3A_129 = arith.constant 4 : i32
    %dma_wait3A_130 = arith.constant 4 : i32
    %dma_wait3A_131 = arith.constant 0 : i32
    %dma_wait3A_132 = arith.constant 0 : i32
    %dma_wait3A_133 = tpu.memref_slice %arg7[%dma_wait3A_129, %dma_wait3A_131, %dma_wait3A_132] : memref<8x64x128xf32, #tpu.memory_space<vmem>> -> memref<1x64x128xf32, #tpu.memory_space<vmem>>
    %dma_wait3A_134 = tpu.memref_squeeze %dma_wait3A_133 : memref<1x64x128xf32, #tpu.memory_space<vmem>> -> memref<64x128xf32, #tpu.memory_space<vmem>>
    %dma_wait3A_135 = arith.constant 0 : i32
    %dma_wait3A_136 = tpu.memref_slice %arg5[%mul3A_2, %dma_wait3A_135] : memref<131072x128xf32, #tpu.memory_space<hbm>> -> memref<64x128xf32, #tpu.memory_space<hbm>>
    %dma_wait3A_137 = tpu.memref_slice %arg11[%dma_wait3A_130] : memref<8x!tpu.dma_semaphore, #tpu.memory_space<semaphore_mem>> -> memref<1x!tpu.dma_semaphore, #tpu.memory_space<semaphore_mem>>
    %dma_wait3A_138 = tpu.memref_squeeze %dma_wait3A_137 : memref<1x!tpu.dma_semaphore, #tpu.memory_space<semaphore_mem>> -> memref<!tpu.dma_semaphore, #tpu.memory_space<semaphore_mem>>
    %dma_wait3A_139 = arith.constant 0 : i32
    %dma_wait3A_140 = tpu.memref_slice %arg5[%mul3A_2, %dma_wait3A_139] : memref<131072x128xf32, #tpu.memory_space<hbm>> -> memref<64x128xf32, #tpu.memory_space<hbm>>
    %dma_wait3A_141 = arith.constant 0 : i32
    %dma_wait3A_142 = arith.constant 0 : i32
    %dma_wait3A_143 = tpu.memref_slice %arg7[%dma_wait3A_129, %dma_wait3A_141, %dma_wait3A_142] : memref<8x64x128xf32, #tpu.memory_space<vmem>> -> memref<1x64x128xf32, #tpu.memory_space<vmem>>
    %dma_wait3A_144 = tpu.memref_squeeze %dma_wait3A_143 : memref<1x64x128xf32, #tpu.memory_space<vmem>> -> memref<64x128xf32, #tpu.memory_space<vmem>>
    tpu.wait_dma2 semaphore(%dma_wait3A_138 : memref<!tpu.dma_semaphore, #tpu.memory_space<semaphore_mem>>) src(%dma_wait3A_144 : memref<64x128xf32, #tpu.memory_space<vmem>>) dst(%dma_wait3A_140 : memref<64x128xf32, #tpu.memory_space<hbm>>)
    %dma_wait3A_145 = arith.constant 5 : i32
    %dma_wait3A_146 = arith.constant 5 : i32
    %dma_wait3A_147 = arith.constant 0 : i32
    %dma_wait3A_148 = arith.constant 0 : i32
    %dma_wait3A_149 = tpu.memref_slice %arg7[%dma_wait3A_145, %dma_wait3A_147, %dma_wait3A_148] : memref<8x64x128xf32, #tpu.memory_space<vmem>> -> memref<1x64x128xf32, #tpu.memory_space<vmem>>
    %dma_wait3A_150 = tpu.memref_squeeze %dma_wait3A_149 : memref<1x64x128xf32, #tpu.memory_space<vmem>> -> memref<64x128xf32, #tpu.memory_space<vmem>>
    %dma_wait3A_151 = arith.constant 0 : i32
    %dma_wait3A_152 = tpu.memref_slice %arg5[%mul3A_2, %dma_wait3A_151] : memref<131072x128xf32, #tpu.memory_space<hbm>> -> memref<64x128xf32, #tpu.memory_space<hbm>>
    %dma_wait3A_153 = tpu.memref_slice %arg11[%dma_wait3A_146] : memref<8x!tpu.dma_semaphore, #tpu.memory_space<semaphore_mem>> -> memref<1x!tpu.dma_semaphore, #tpu.memory_space<semaphore_mem>>
    %dma_wait3A_154 = tpu.memref_squeeze %dma_wait3A_153 : memref<1x!tpu.dma_semaphore, #tpu.memory_space<semaphore_mem>> -> memref<!tpu.dma_semaphore, #tpu.memory_space<semaphore_mem>>
    %dma_wait3A_155 = arith.constant 0 : i32
    %dma_wait3A_156 = tpu.memref_slice %arg5[%mul3A_2, %dma_wait3A_155] : memref<131072x128xf32, #tpu.memory_space<hbm>> -> memref<64x128xf32, #tpu.memory_space<hbm>>
    %dma_wait3A_157 = arith.constant 0 : i32
    %dma_wait3A_158 = arith.constant 0 : i32
    %dma_wait3A_159 = tpu.memref_slice %arg7[%dma_wait3A_145, %dma_wait3A_157, %dma_wait3A_158] : memref<8x64x128xf32, #tpu.memory_space<vmem>> -> memref<1x64x128xf32, #tpu.memory_space<vmem>>
    %dma_wait3A_160 = tpu.memref_squeeze %dma_wait3A_159 : memref<1x64x128xf32, #tpu.memory_space<vmem>> -> memref<64x128xf32, #tpu.memory_space<vmem>>
    tpu.wait_dma2 semaphore(%dma_wait3A_154 : memref<!tpu.dma_semaphore, #tpu.memory_space<semaphore_mem>>) src(%dma_wait3A_160 : memref<64x128xf32, #tpu.memory_space<vmem>>) dst(%dma_wait3A_156 : memref<64x128xf32, #tpu.memory_space<hbm>>)
    %dma_wait3A_161 = arith.constant 6 : i32
    %dma_wait3A_162 = arith.constant 6 : i32
    %dma_wait3A_163 = arith.constant 0 : i32
    %dma_wait3A_164 = arith.constant 0 : i32
    %dma_wait3A_165 = tpu.memref_slice %arg7[%dma_wait3A_161, %dma_wait3A_163, %dma_wait3A_164] : memref<8x64x128xf32, #tpu.memory_space<vmem>> -> memref<1x64x128xf32, #tpu.memory_space<vmem>>
    %dma_wait3A_166 = tpu.memref_squeeze %dma_wait3A_165 : memref<1x64x128xf32, #tpu.memory_space<vmem>> -> memref<64x128xf32, #tpu.memory_space<vmem>>
    %dma_wait3A_167 = arith.constant 0 : i32
    %dma_wait3A_168 = tpu.memref_slice %arg5[%mul3A_2, %dma_wait3A_167] : memref<131072x128xf32, #tpu.memory_space<hbm>> -> memref<64x128xf32, #tpu.memory_space<hbm>>
    %dma_wait3A_169 = tpu.memref_slice %arg11[%dma_wait3A_162] : memref<8x!tpu.dma_semaphore, #tpu.memory_space<semaphore_mem>> -> memref<1x!tpu.dma_semaphore, #tpu.memory_space<semaphore_mem>>
    %dma_wait3A_170 = tpu.memref_squeeze %dma_wait3A_169 : memref<1x!tpu.dma_semaphore, #tpu.memory_space<semaphore_mem>> -> memref<!tpu.dma_semaphore, #tpu.memory_space<semaphore_mem>>
    %dma_wait3A_171 = arith.constant 0 : i32
    %dma_wait3A_172 = tpu.memref_slice %arg5[%mul3A_2, %dma_wait3A_171] : memref<131072x128xf32, #tpu.memory_space<hbm>> -> memref<64x128xf32, #tpu.memory_space<hbm>>
    %dma_wait3A_173 = arith.constant 0 : i32
    %dma_wait3A_174 = arith.constant 0 : i32
    %dma_wait3A_175 = tpu.memref_slice %arg7[%dma_wait3A_161, %dma_wait3A_173, %dma_wait3A_174] : memref<8x64x128xf32, #tpu.memory_space<vmem>> -> memref<1x64x128xf32, #tpu.memory_space<vmem>>
    %dma_wait3A_176 = tpu.memref_squeeze %dma_wait3A_175 : memref<1x64x128xf32, #tpu.memory_space<vmem>> -> memref<64x128xf32, #tpu.memory_space<vmem>>
    tpu.wait_dma2 semaphore(%dma_wait3A_170 : memref<!tpu.dma_semaphore, #tpu.memory_space<semaphore_mem>>) src(%dma_wait3A_176 : memref<64x128xf32, #tpu.memory_space<vmem>>) dst(%dma_wait3A_172 : memref<64x128xf32, #tpu.memory_space<hbm>>)
    %dma_wait3A_177 = arith.constant 7 : i32
    %dma_wait3A_178 = arith.constant 7 : i32
    %dma_wait3A_179 = arith.constant 0 : i32
    %dma_wait3A_180 = arith.constant 0 : i32
    %dma_wait3A_181 = tpu.memref_slice %arg7[%dma_wait3A_177, %dma_wait3A_179, %dma_wait3A_180] : memref<8x64x128xf32, #tpu.memory_space<vmem>> -> memref<1x64x128xf32, #tpu.memory_space<vmem>>
    %dma_wait3A_182 = tpu.memref_squeeze %dma_wait3A_181 : memref<1x64x128xf32, #tpu.memory_space<vmem>> -> memref<64x128xf32, #tpu.memory_space<vmem>>
    %dma_wait3A_183 = arith.constant 0 : i32
    %dma_wait3A_184 = tpu.memref_slice %arg5[%mul3A_2, %dma_wait3A_183] : memref<131072x128xf32, #tpu.memory_space<hbm>> -> memref<64x128xf32, #tpu.memory_space<hbm>>
    %dma_wait3A_185 = tpu.memref_slice %arg11[%dma_wait3A_178] : memref<8x!tpu.dma_semaphore, #tpu.memory_space<semaphore_mem>> -> memref<1x!tpu.dma_semaphore, #tpu.memory_space<semaphore_mem>>
    %dma_wait3A_186 = tpu.memref_squeeze %dma_wait3A_185 : memref<1x!tpu.dma_semaphore, #tpu.memory_space<semaphore_mem>> -> memref<!tpu.dma_semaphore, #tpu.memory_space<semaphore_mem>>
    %dma_wait3A_187 = arith.constant 0 : i32
    %dma_wait3A_188 = tpu.memref_slice %arg5[%mul3A_2, %dma_wait3A_187] : memref<131072x128xf32, #tpu.memory_space<hbm>> -> memref<64x128xf32, #tpu.memory_space<hbm>>
    %dma_wait3A_189 = arith.constant 0 : i32
    %dma_wait3A_190 = arith.constant 0 : i32
    %dma_wait3A_191 = tpu.memref_slice %arg7[%dma_wait3A_177, %dma_wait3A_189, %dma_wait3A_190] : memref<8x64x128xf32, #tpu.memory_space<vmem>> -> memref<1x64x128xf32, #tpu.memory_space<vmem>>
    %dma_wait3A_192 = tpu.memref_squeeze %dma_wait3A_191 : memref<1x64x128xf32, #tpu.memory_space<vmem>> -> memref<64x128xf32, #tpu.memory_space<vmem>>
    tpu.wait_dma2 semaphore(%dma_wait3A_186 : memref<!tpu.dma_semaphore, #tpu.memory_space<semaphore_mem>>) src(%dma_wait3A_192 : memref<64x128xf32, #tpu.memory_space<vmem>>) dst(%dma_wait3A_188 : memref<64x128xf32, #tpu.memory_space<hbm>>)
    return
  }
}

</mosaic_0001>

<sc_bundles>
// kernel: kernel.3.cloned.1.call-start
scs
__scs_entry_jumppad:
0x0: {  	(pc) =	sbr.rel $0x88, $3  }
0x1: {  	(tag) =	ssettag $0x0;
	lr =	simm.s32 $0x1  }
0x2: {  	[smem:$0x3F9E] =	sst lr;
	_ =	strace $0xD0000000  }
0x3: {  	_ = 	snop  }
0x4: {  	_ = 	snop  }
0x5: {  	_ = 	snop  }
0x6: {  	_ = 	snop  }
0x7: {  	_ = 	snop  }
__scs_overlays_trampoline_lowered:
0x8: {  	[smem:$0x3FAD] =	sst s0  }
0x9: {  	[smem:$0x3FAE] =	sst s1  }
0xa: {  	[smem:$0x3FAF] =	sst s2  }
0xb: {  	[smem:$0x3FB0] =	sst s3  }
0xc: {  	[smem:$0x3FB1] =	sst s4  }
0xd: {  	[smem:$0x3FB2] =	sst s5  }
0xe: {  	[smem:$0x3FB3] =	sst s6  }
0xf: {  	[smem:$0x3FB4] =	sst s7  }
0x10: {  	[smem:$0x3FB5] =	sst s8  }
0x11: {  	[smem:$0x3FB6] =	sst s9;
	s0 =	simm.s32 @!p0 $0x0  }
0x12: {  	s1 =	sld [smem:$0x3F9C];
	s0 =	simm.s32 @p0 $0x1  }
0x13: {  	[smem:$0x3FB7] =	sst s0;
	s0 =	simm.s32 @!p1 $0x0  }
0x14: {  	s2 =	sld [smem:$0x3F9B];
	s0 =	simm.s32 @p1 $0x1  }
0x15: {  	[smem:$0x3FB8] =	sst s0;
	s0 =	simm.s32 @!p2 $0x0  }
0x16: {  	s3 =	sld [smem:$0x3FDB];
	s0 =	simm.s32 @p2 $0x1  }
0x17: {  	s4 =	simm.s32 $0x1BF5;
	[smem:$0x3FBA] =	sst s0  }
0x18: {  	s0 =	sld [smem:$0x3F9D];
	_ =	swait.ge [sflag:s4], $0x0  }
0x19: {  	s7 =	sld [smem:$0x3F9E]  }
0x1a: {  	s8 =	sadd.s32 $0xFFFFE003, lr  }
0x1b: {  	s9 =	sadd.s32 $0xFFFFFEF7, lr;
	s5 =	simm.s32 $0xFFFFFFFF;
	p2 =	slt.u32 s8, $0xFFFFF086  }
0x1c: {  	p1 =	slt.u32 s9, $0xF7A;
	s5 =	simm.s32 @!p2 $0x0  }
0x1d: {  	s5 =	simm.s32 @p1 $0x1;
	p0 =	seq.s32 s7, s2  }
0x1e: {  	s7 =	smul.u32 @!p0 $0xF7A, s2;
	p2 =	seq.s32 @!p0 s5, $0x0  }
0x1f: {  	s9 =	smul.u32 $0xF7A, s1;
	s8 =	simm.s32 @!p0 $0x1BF5;
	p2 =	por !p2, p0  }
0x20: {  	[sflag:s8] =	ssyncset.s32 @!p0 $0xFFFFF086;
	s6 =	sadd.s32 @!p0 s3, s7;
	s7 =	simm.s32 @!p0 $0x108  }
0x21: {  	s3 =	sadd.s32 s3, s9;
	s6 =	sadd.s32 @!p0 $0x88, s6;
	s7 =	simm.s32 @p2 $0x1082  }
0x22: {  	[simem:s7], [sflag:s8] =	dma.local @!p0 [hbm:s6], $0xF7A  }
0x23: {  	s9 =	sor.u32 $0xD0000000, s2;
	s6 =	simm.s32 $0x108;
	_ =	swait.ge @!p0 [sflag:s8], $0x0  }
0x24: {  	s3 =	sadd.s32 $0x88, s3;
	s6 =	simm.s32 @!p1 $0x1082;
	[sflag:s4] =	ssyncset.s32 $0xFFFFF086  }
0x25: {  	[simem:s6], [sflag:s4] =	dma.local [hbm:s3], $0xF7A  }
0x26: {  	[smem:$0x3F9E] =	sst s1;
	(tag) =	ssettag s2;
	_ =	strace s9  }
0x27: {  	s1 =	sld [smem:$0x3FAE]  }
0x28: {  	s2 =	sld [smem:$0x3FAF]  }
0x29: {  	s4 =	sld [smem:$0x3FB1]  }
0x2a: {  	p0 =	seq.s32 s5, $0x0;
	s5 =	sld [smem:$0x3FB2]  }
0x2b: {  	s6 =	sld [smem:$0x3FB3]  }
0x2c: {  	s7 =	sld [smem:$0x3FB4]  }
0x2d: {  	s3 =	simm.s32 $0x108;
	s8 =	sld [smem:$0x3FB5]  }
0x2e: {  	s3 =	simm.s32 @!p0 $0x1082;
	s9 =	sld [smem:$0x3FB6]  }
0x2f: {  	lr =	sadd.s32 s0, s3;
	s0 =	sld [smem:$0x3FAD]  }
0x30: {  	s3 =	sld [smem:$0x3FB0]  }
0x31: {  	[smem:$0x3FB9] =	sst s10  }
0x32: {  	s10 =	sld [smem:$0x3FB7];
	_ =	sdelay $0x3  }
0x33: {  	p0 =	seq.s32 s10, $0x1;
	s10 =	sld [smem:$0x3FB9];
	_ =	sdelay $0x3  }
0x34: {  	[smem:$0x3FB9] =	sst s10  }
0x35: {  	s10 =	sld [smem:$0x3FB8];
	_ =	sdelay $0x3  }
0x36: {  	p1 =	seq.s32 s10, $0x1;
	s10 =	sld [smem:$0x3FB9];
	_ =	sdelay $0x3  }
0x37: {  	[smem:$0x3FB9] =	sst s10  }
0x38: {  	s10 =	sld [smem:$0x3FBA]  }
0x39: {  	_ = 	snop;
	(pc) =	sbr.ind lr, $3  }
0x3a: {  	_ = 	snop  }
0x3b: {  	_ = 	snop  }
0x3c: {  	p2 =	seq.s32 s10, $0x1;
	s10 =	sld [smem:$0x3FB9]  }
0x3d: {  	_ =	shalt  }
0x3e: {  	_ =	shalt  }
0x3f: {  	_ =	shalt  }
0x40: {  	_ =	shalt  }
0x41: {  	_ =	shalt  }
0x42: {  	_ =	shalt  }
0x43: {  	_ =	shalt  }
0x44: {  	_ =	shalt  }
0x45: {  	_ =	shalt  }
0x46: {  	_ =	shalt  }
0x47: {  	_ =	shalt  }
0x48: {  	_ =	shalt  }
0x49: {  	_ =	shalt  }
0x4a: {  	_ =	shalt  }
0x4b: {  	_ =	shalt  }
0x4c: {  	_ =	shalt  }
0x4d: {  	_ =	shalt  }
0x4e: {  	_ =	shalt  }
0x4f: {  	_ =	shalt  }
0x50: {  	_ =	shalt  }
0x51: {  	_ =	shalt  }
0x52: {  	_ =	shalt  }
0x53: {  	_ =	shalt  }
0x54: {  	_ =	shalt  }
0x55: {  	_ =	shalt  }
0x56: {  	_ =	shalt  }
0x57: {  	_ =	shalt  }
0x58: {  	_ =	shalt  }
0x59: {  	_ =	shalt  }
0x5a: {  	_ =	shalt  }
0x5b: {  	_ =	shalt  }
0x5c: {  	_ =	shalt  }
0x5d: {  	_ =	shalt  }
0x5e: {  	_ =	shalt  }
0x5f: {  	_ =	shalt  }
0x60: {  	_ =	shalt  }
0x61: {  	_ =	shalt  }
0x62: {  	_ =	shalt  }
0x63: {  	_ =	shalt  }
0x64: {  	_ =	shalt  }
0x65: {  	_ =	shalt  }
0x66: {  	_ =	shalt  }
0x67: {  	_ =	shalt  }
0x68: {  	_ =	shalt  }
0x69: {  	_ =	shalt  }
0x6a: {  	_ =	shalt  }
0x6b: {  	_ =	shalt  }
0x6c: {  	_ =	shalt  }
0x6d: {  	_ =	shalt  }
0x6e: {  	_ =	shalt  }
0x6f: {  	_ =	shalt  }
0x70: {  	_ =	shalt  }
0x71: {  	_ =	shalt  }
0x72: {  	_ =	shalt  }
0x73: {  	_ =	shalt  }
0x74: {  	_ =	shalt  }
0x75: {  	_ =	shalt  }
0x76: {  	_ =	shalt  }
0x77: {  	_ =	shalt  }
0x78: {  	_ =	shalt  }
0x79: {  	_ =	shalt  }
0x7a: {  	_ =	shalt  }
0x7b: {  	_ =	shalt  }
0x7c: {  	_ =	shalt  }
0x7d: {  	_ =	shalt  }
0x7e: {  	_ =	shalt  }
0x7f: {  	_ =	shalt  }
0x80: {  	_ =	shalt  }
0x81: {  	_ =	shalt  }
0x82: {  	_ =	shalt  }
0x83: {  	_ =	shalt  }
0x84: {  	_ =	shalt  }
0x85: {  	_ =	shalt  }
0x86: {  	_ =	shalt  }
0x87: {  	_ =	shalt  }
.Lfunc_end0:
.L_simem_size_0:
called_computation_lowered:
.L_overlay_start_0:
0x88: {  	s2 =	sld [smem:$0x3FD9]  }
0x89: {  	s3 =	sld [smem:$0x3FFE];
	_ =	sdelay $0x1  }
0x8a: {  	s1 =	srdreg.scid  }
0x8b: {  	s0 =	sand.u32 $0x1, s1  }
0x8c: {  	s18 =	sshll.u32 s0, $0xA;
	s2 =	sadd.s32 s3, s2  }
0x8d: {  	s2 =	sadd.s32 s2, s18  }
0x8e: {  	[smem:$0x3FC5] =	sst s2  }
0x8f: {  	_ = 	snop  }
0x90: {  	s2 =	sld [smem:$0x3FC9]  }
0x91: {  	s19 =	sld [smem:$0x3FC8]  }
0x92: {  	s4 =	sld [smem:$0x3FC7]  }
0x93: {  	s5 =	sld [smem:$0x3FD0];
	(tm) =	ssettm $0x1  }
0x94: {  	s6 =	sld [smem:$0x3FFB];
	_ =	sdelay $0x3  }
0x95: {  	_ =	strace s6  }
0x96: {  	s6 =	sld [smem:$0x3FFC];
	_ =	sdelay $0x3  }
0x97: {  	_ =	strace s6  }
0x98: {  	s6 =	sld [smem:$0x3FFD];
	_ =	sdelay $0x3  }
0x99: {  	_ =	strace s6  }
0x9a: {  	_ =	strace $0x8FFFFFFF  }
0x9b: {  	s20 =	sld [smem:$0x3FDB];
	_ =	sdelay $0x1  }
0x9c: {  	s7 =	simm.s32 $_scs_section_size  }
0x9d: {  	s8 =	simm.s32 $_size__tile_overlayer_lowered;
	s9 =	simm.s32 $_tile_overlayer_lowered  }
0x9e: {  	s23 =	simm.s32 $0x1BFF;
	s22 =	sshll.u32 s9, $0x1;
	s6 =	sadd.s32 s7, s20  }
0x9f: {  	s10 =	simm.s32 $0x0;
	s21 =	sshll.u32 s8, $0x1;
	s8 =	sadd.s32 s22, s6  }
0xa0: {  	[timem:s10], [sflag:s23] =	dma.local [hbm:s8], s21  }
0xa1: {  	_ =	swait.ge [sflag:s23], s21  }
0xa2: {  	s7 =	ssub.s32 $0x0, s21;
	[sflag:s23] =	ssyncset.done $0x0  }
0xa3: {  	[sflag:s23] =	ssyncadd.s32 s7;
	_ =	sdelay $0x1  }
0xa4: {  	s24 =	simm.s32 $0x1B8B  }
0xa5: {  	_ =	swait.ge [sflag:s24], $0x1  }
0xa6: {  	[sflag:s24] =	ssyncset.done $0x0  }
0xa7: {  	s25 =	simm.s32 $0x1B8E;
	[sflag:s24] =	ssyncadd.s32 $0xFFFFFFFF  }
0xa8: {  	s26 =	simm.s32 $execute0_lowered;
	[smem:$0x3FD2] =	sst s25  }
0xa9: {  	s7 =	sshll.u32 s26, $0x1;
	_ =	strace $0x80000046;
	[dreg:$0x1] =	wrdreg $0xFFFFFFFF  }
0xaa: {  	s28 =	simm.s32 $_size_execute0_lowered;
	s6 =	sadd.s32 s6, s7;
	[dreg:$0x0] =	wrdreg $0x0  }
0xab: {  	s7 =	sshll.u32 s28, $0x1;
	[dreg:$0x2] =	wrdreg s6  }
0xac: {  	[dreg:$0x3] =	wrdreg s7  }
0xad: {  	[dreg:$0x4] =	wrdreg $0xC0  }
0xae: {  	_ =	task [dreg:s10], $0x5FFFF  }
0xaf: {  	[dreg:$0x1] =	wrdreg $0xFFFFFFFF  }
0xb0: {  	[dreg:$0x0] =	wrdreg $0x60  }
0xb1: {  	[dreg:$0x2] =	wrdreg s2  }
0xb2: {  	[dreg:$0x3] =	wrdreg s19  }
0xb3: {  	[dreg:$0x4] =	wrdreg s4  }
0xb4: {  	[dreg:$0x5] =	wrdreg s5  }
0xb5: {  	[dreg:$0x6] =	wrdreg $0x110000  }
0xb6: {  	[dreg:$0x7] =	wrdreg $0x9  }
0xb7: {  	_ =	task.clear_ibuf [dreg:s10], $0x8FFFF;
	_ =	strace $0x90000046  }
0xb8: {  	s29 =	simm.s32 $0x9;
	_ =	strace $0x80000048  }
0xb9: {  	_ =	swait.ge [sflag:s29], $0x1  }
0xba: {  	[sflag:s29] =	ssyncadd.s32 $0xFFFFFFFF  }
0xbb: {  	_ =	strace $0x90000048  }
0xbc: {  	_ =	sfence  }
0xbd: {  	s30 =	sld [smem:$0x0];
	_ =	sdelay $0x2  }
0xbe: {  	s31 =	sshll.u32 s1, $0xD;
	s1 =	sshrl.u32 s1, $0x2  }
0xbf: {  	s3 =	sand.u32 $0x4000, s31;
	s1 =	sadd.s32 s1, s30  }
0xc0: {  	s0 =	sor.u32 s3, s0;
	s1 =	sshll.u32 s1, $0x11  }
0xc1: {  	s0 =	sor.u32 s1, s0  }
0xc2: {  	s0 =	sadd.s32 $0x8F2B, s0  }
0xc3: {  	[sflag:s0] =	ssyncadd.remote.s32 $0x1  }
0xc4: {  	_ =	sfence.sel $0xFFFF  }
0xc5: {  	[dreg:$0x0] =	wrdreg $0xFFFFFFFF;
	(pc) =	sbr.abs _section_cstart, $3  }
0xc6: {  	[dreg:$0x1] =	wrdreg $0xFFFFFFFF  }
0xc7: {  	_ =	task.clear_ibuf [dreg:s10], $0x2FFFF;
	_ =	strace $0x9FFFFFFF  }
0xc8: {  	(tm) =	ssettm $0x7FFFFFFF  }
0xc9: {  	_ =	shalt  }
tec
execute0_lowered:
.L_overlay_start_1:
0x0: {  	(tag) =	ssettag $0x1  }
0x1: {  	s0 =	rddreg [dreg:$0x0]  }
0x2: {  	s1 =	rddreg [dreg:$0x1]  }
0x3: {  	s3 =	rddreg [dreg:$0x2]  }
0x4: {  	s2 =	rddreg [dreg:$0x3]  }
0x5: {  	s4 =	rddreg [dreg:$0x4];
	s5 =	simm.s32 $0x0  }
0x6: {  	s6 =	srdreg.scid;
	s13 =	stileid.u32;
	s14 =	simm.s32 $0xF  }
0x7: {  	s15 =	simm.s32 $0x10;
	[smem:$0x7FF] =	sst s5;
	s7 =	sand.u32 $0x1, s6  }
0x8: {  	s17 =	sshll.u32 s13, $0x1;
	s11 =	sshll.u32 s13, $0xE;
	s19 =	sshll.u32 s13, $0xB  }
0x9: {  	s12 =	sshll.u32 s13, $0x6;
	s21 =	sadd.s32 $0x2000, s4;
	s22 =	sadd.s32 $0x4000, s4  }
0xa: {  	s23 =	sadd.s32 $0x6000, s4;
	s24 =	sadd.s32 $0x8000, s4;
	s25 =	sshll.u32 s13, $0x11  }
0xb: {  	s26 =	sadd.s32 $0xA000, s4;
	_ =	strace $0x80000047;
	[dreg:$0xa] =	wrdreg s21  }
0xc: {  	s29 =	sadd.s32 $0xC000, s4;
	s13 =	simm.s32 $0xE;
	[dreg:$0xb] =	wrdreg s22  }
0xd: {  	s8 =	sor.u32 s7, s17;
	s9 =	ssub.s32 $0x2, s7;
	[dreg:$0xc] =	wrdreg s23  }
0xe: {  	s18 =	sadd.s32 s11, s4;
	s3 =	sadd.s32 s3, s19;
	[dreg:$0xd] =	wrdreg s24  }
0xf: {  	s20 =	sor.u32 $0x1C19, s12;
	[dreg:$0xe] =	wrdreg s26;
	s28 =	sshll.u32 s7, $0x10  }
0x10: {  	[dreg:$0xf] =	wrdreg s29;
	s23 =	simm.s32 $0x1000;
	s21 =	simm.s32 $0x5000  }
0x11: {  	s17 =	simm.s32 $0x7000;
	s22 =	simm.s32 $0x9000;
	s19 =	simm.s32 $0xB000  }
0x12: {  	s7 =	simm.s32 $0x40;
	s6 =	sshll.u32 s8, $0xC;
	s8 =	sshll.u32 s8, $0x8  }
0x13: {  	s12 =	simm.s32 $0xD;
	s11 =	simm.s32 $0xF000;
	s8 =	sor.u32 s8, s6  }
0x14: {  	s10 =	sshrl.u32 s9, $0x1;
	[dreg:$0x6] =	wrdreg s3;
	s8 =	sand.u32 $0x1C300, s8  }
0x15: {  	[dreg:$0x7] =	wrdreg s20;
	s31 =	sshrl.u32 s18, $0x3;
	s8 =	sshrl.u32 s8, $0x3  }
.Ltmp0:
0x16: {  	[dreg:$0x12] =	wrdreg s31;
	s0 =	sadd.s32 s0, s8;
	(pc) =	sbr.rel .LBB2_1-.Ltmp0, $4  }
0x17: {  	s9 =	ssub.s32 s9, s10;
	[dreg:$0x8] =	wrdreg s0;
	s0 =	sadd.s32 $0x10, s0  }
0x18: {  	s30 =	smax.u32 s9, $0x1;
	[dreg:$0x9] =	wrdreg s0;
	s0 =	sadd.s32 s25, s2  }
0x19: {  	s18 =	simm.s32 $0xD000;
	[dreg:$0x10] =	wrdreg s30;
	s0 =	sadd.s32 s28, s0  }
0x1a: {  	s9 =	simm.s32 $0x3000;
	s8 =	simm.s32 $0x0;
	[dreg:$0x11] =	wrdreg s0  }
.LBB2_6:
0x1b: {  	s0 =	simm.s32 $0x11  }
0x1c: {  	_ =	swait.ge [sflag:s0], $0x2000  }
0x1d: {  	[sflag:s0] =	ssyncset.done $0x0  }
0x1e: {  	s24 =	simm.s32 $0x12;
	[sflag:s0] =	ssyncadd.s32 $0xFFFFE000  }
0x1f: {  	_ =	swait.ge [sflag:s24], $0x2000  }
0x20: {  	[sflag:s24] =	ssyncset.done $0x0  }
0x21: {  	s25 =	simm.s32 $0x13;
	[sflag:s24] =	ssyncadd.s32 $0xFFFFE000  }
0x22: {  	_ =	swait.ge [sflag:s25], $0x2000  }
0x23: {  	[sflag:s25] =	ssyncset.done $0x0  }
0x24: {  	s26 =	simm.s32 $0x14;
	[sflag:s25] =	ssyncadd.s32 $0xFFFFE000  }
0x25: {  	_ =	swait.ge [sflag:s26], $0x2000  }
0x26: {  	[sflag:s26] =	ssyncset.done $0x0  }
0x27: {  	s28 =	simm.s32 $0x15;
	[sflag:s26] =	ssyncadd.s32 $0xFFFFE000  }
0x28: {  	_ =	swait.ge [sflag:s28], $0x2000  }
0x29: {  	[sflag:s28] =	ssyncset.done $0x0  }
0x2a: {  	s29 =	simm.s32 $0x16;
	[sflag:s28] =	ssyncadd.s32 $0xFFFFE000  }
0x2b: {  	_ =	swait.ge [sflag:s29], $0x2000  }
0x2c: {  	[sflag:s29] =	ssyncset.done $0x0  }
0x2d: {  	s30 =	simm.s32 $0x17;
	[sflag:s29] =	ssyncadd.s32 $0xFFFFE000  }
0x2e: {  	_ =	swait.ge [sflag:s30], $0x2000  }
0x2f: {  	[sflag:s30] =	ssyncset.done $0x0  }
0x30: {  	s3 =	simm.s32 $0x18;
	[sflag:s30] =	ssyncadd.s32 $0xFFFFE000  }
0x31: {  	_ =	swait.ge [sflag:s3], $0x2000  }
0x32: {  	s8 =	rddreg [dreg:$0x13]  }
0x33: {  	s31 =	rddreg [dreg:$0x10];
	s8 =	sadd.s32 $0x1, s8  }
0x34: {  	p0 =	sne.s32 s8, s31  }
.Ltmp1:
0x35: {  	_ = 	snop;
	(pc) =	sbr.rel @!p0 .LBB2_7-.Ltmp1, $3  }
0x36: {  	_ =	sdelay $0x1  }
0x37: {  	[sflag:s3] =	ssyncset.done $0x0  }
0x38: {  	[sflag:s3] =	ssyncadd.s32 $0xFFFFE000  }
.LBB2_1:
0x39: {  	[dreg:$0x13] =	wrdreg s8  }
0x3a: {  	s0 =	rddreg [dreg:$0x6]  }
0x3b: {  	s3 =	rddreg [dreg:$0x7]  }
0x3c: {  	s10 =	rddreg [dreg:$0x12];
	s16 =	simm.s32 $0x19  }
0x3d: {  	[spmem:s10], [sflag:s3] =	dma.local [hbm:s0], $0x800  }
0x3e: {  	_ =	swait.ge [sflag:s16], $0x800  }
0x3f: {  	s24 =	simm.s32 $0x80;
	[sflag:s16] =	ssyncset.done $0x0  }
0x40: {  	s25 =	simm.s32 $0x400;
	s20 =	rddreg [dreg:$0x8];
	[sflag:s16] =	ssyncadd.s32 $0xFFFFF800  }
0x41: {  	[tilespmem:s5], [sflag:$0x1] =	stream.strided.gather [hbm4b:s20+s24], $0x800, s25, s24, $0x38;
	[tilespmem:$0x15000] =	vst v63  }
0x42: {  	s30 =	simm.s32 $0x1;
	s10 =	simm.s32 $0x800;
	s26 =	rddreg [dreg:$0x9]  }
0x43: {  	[tilespmem:s10], [sflag:$0x2] =	stream.strided.gather [hbm4b:s26+s24], $0x800, s25, s24, $0x38;
	[tilespmem:$0x15000] =	vst v63  }
0x44: {  	_ =	swait.ge [sflag:s30], $0x800  }
0x45: {  	[sflag:s30] =	ssyncset.done $0x0  }
0x46: {  	s31 =	simm.s32 $0x2;
	[sflag:s30] =	ssyncadd.s32 $0xFFFFF800  }
.Ltmp2:
0x47: {  	_ =	swait.ge [sflag:s31], $0x800;
	(pc) =	sbr.rel .LBB2_2-.Ltmp2, $4  }
0x48: {  	[sflag:s31] =	ssyncset.done $0x0  }
0x49: {  	[sflag:s31] =	ssyncadd.s32 $0xFFFFF800  }
0x4a: {  	s28 =	simm.s32 $0x0;
	s8 =	simm.s32 $0x7;
	[bflag:$0x0] =	sbarrier.arrive $0xFFFF  }
0x4b: {  	s16 =	simm.s32 $0x180;
	s26 =	simm.s32 $0x30000;
	s29 =	rddreg [dreg:$0x11]  }
.LBB2_4:
0x4c: {  	s0 =	sadd.s32 $0xFFFD0000, s26;
	s3 =	simm.s32 $0x11  }
0x4d: {  	_ =	swait.ge [sflag:s3], $0x2000;
	s0 =	sand.u32 $0xC0000, s0  }
0x4e: {  	[sflag:s3] =	ssyncset.done $0x0;
	s0 =	sshrl.u32 s0, $0x2  }
0x4f: {  	[sflag:s3] =	ssyncadd.s32 $0xFFFFE000;
	s0 =	sadd.s32 s0, s4  }
0x50: {  	[tilespmem:s23], [sflag:$0x1] =	stream.linear.gather [spmem:s0], $0x2000, $0x38;
	[tilespmem:$0x15000] =	vst v63  }
0x51: {  	s20 =	sadd.s32 $0xFFFD8000, s26;
	s23 =	simm.s32 $0x12  }
0x52: {  	s0 =	sand.u32 $0xC8000, s20;
	_ =	swait.ge [sflag:s23], $0x2000  }
0x53: {  	s24 =	sadd.s32 $0xFFFE0000, s26;
	s0 =	sshrl.u32 s0, $0x2;
	[sflag:s23] =	ssyncset.done $0x0  }
0x54: {  	s25 =	simm.s32 $0x13;
	s0 =	sadd.s32 s0, s4;
	[sflag:s23] =	ssyncadd.s32 $0xFFFFE000  }
0x55: {  	[tilespmem:s9], [sflag:$0x2] =	stream.linear.gather [spmem:s0], $0x2000, $0x38;
	[tilespmem:$0x15000] =	vst v63  }
0x56: {  	s0 =	sand.u32 $0xD0000, s24;
	_ =	swait.ge [sflag:s25], $0x2000  }
0x57: {  	s10 =	simm.s32 $0x14;
	s0 =	sshrl.u32 s0, $0x2;
	[sflag:s25] =	ssyncset.done $0x0  }
0x58: {  	s9 =	sadd.s32 $0xFFFE8000, s26;
	s0 =	sadd.s32 s0, s4;
	[sflag:s25] =	ssyncadd.s32 $0xFFFFE000  }
0x59: {  	[tilespmem:s21], [sflag:$0x3] =	stream.linear.gather [spmem:s0], $0x2000, $0x38;
	[tilespmem:$0x15000] =	vst v63  }
0x5a: {  	s0 =	sand.u32 $0xD8000, s9;
	_ =	swait.ge [sflag:s10], $0x2000  }
0x5b: {  	s0 =	sshrl.u32 s0, $0x2;
	[sflag:s10] =	ssyncset.done $0x0  }
0x5c: {  	s0 =	sadd.s32 s0, s4;
	[sflag:s10] =	ssyncadd.s32 $0xFFFFE000  }
0x5d: {  	[tilespmem:s17], [sflag:$0x4] =	stream.linear.gather [spmem:s0], $0x2000, $0x38;
	[tilespmem:$0x15000] =	vst v63  }
0x5e: {  	s20 =	simm.s32 $0x15;
	s17 =	sadd.s32 $0xFFFF0000, s26  }
0x5f: {  	s30 =	smov.u32 s8;
	_ =	swait.ge [sflag:s20], $0x2000;
	s0 =	sand.u32 $0xE0000, s17  }
0x60: {  	s31 =	smov.u32 s16;
	[sflag:s20] =	ssyncset.done $0x0;
	s0 =	sshrl.u32 s0, $0x2  }
0x61: {  	s3 =	sadd.s32 $0xFFFFFF80, s16;
	[sflag:s20] =	ssyncadd.s32 $0xFFFFE000;
	s0 =	sadd.s32 s0, s4  }
0x62: {  	[tilespmem:s22], [sflag:$0x5] =	stream.linear.gather [spmem:s0], $0x2000, $0x38;
	[tilespmem:$0x15000] =	vst v63  }
0x63: {  	s23 =	simm.s32 $0x17;
	s21 =	sadd.s32 $0xFFFF8000, s26;
	s22 =	simm.s32 $0x16  }
0x64: {  	s24 =	sand.u32 $0xF0000, s26;
	s0 =	sand.u32 $0xE8000, s21;
	_ =	swait.ge [sflag:s22], $0x2000  }
0x65: {  	s25 =	simm.s32 $0x18;
	s0 =	sshrl.u32 s0, $0x2;
	[sflag:s22] =	ssyncset.done $0x0  }
0x66: {  	s9 =	simm.s32 $0x1000;
	s0 =	sadd.s32 s0, s4;
	[sflag:s22] =	ssyncadd.s32 $0xFFFFE000  }
0x67: {  	[tilespmem:s19], [sflag:$0x6] =	stream.linear.gather [spmem:s0], $0x2000, $0x38;
	[tilespmem:$0x15000] =	vst v63  }
0x68: {  	s17 =	simm.s32 $0x5000;
	s20 =	simm.s32 $0xD000;
	_ =	swait.ge [sflag:s23], $0x2000  }
0x69: {  	s21 =	simm.s32 $0x3000;
	s0 =	sshrl.u32 s24, $0x2;
	[sflag:s23] =	ssyncset.done $0x0  }
0x6a: {  	s22 =	simm.s32 $0x7000;
	s0 =	sadd.s32 s0, s4;
	[sflag:s23] =	ssyncadd.s32 $0xFFFFE000  }
0x6b: {  	[tilespmem:s18], [sflag:$0x7] =	stream.linear.gather [spmem:s0], $0x2000, $0x38;
	[tilespmem:$0x15000] =	vst v63  }
0x6c: {  	s24 =	sadd.s32 $0xFFFFFF40, s16;
	s19 =	simm.s32 $0x9000;
	_ =	swait.ge [sflag:s25], $0x2000  }
0x6d: {  	s23 =	sadd.s32 $0xFFFFFF00, s16;
	s0 =	sadd.s32 $0xFFFFFFC0, s16;
	[sflag:s25] =	ssyncset.done $0x0  }
0x6e: {  	s18 =	simm.s32 $0xB000;
	[sflag:s25] =	ssyncadd.s32 $0xFFFFE000;
	s25 =	sadd.s32 $0xFFFFFEC0, s16  }
.LBB2_5:
0x6f: {  	s10 =	sshll.u32 s30, $0xD  }
0x70: {  	s10 =	sand.u32 $0x3E000, s10  }
0x71: {  	s10 =	sadd.s32 s10, s4  }
0x72: {  	[tilespmem:s11], [sflag:$0x8] =	stream.linear.gather [spmem:s10], $0x2000, $0x38;
	[tilespmem:$0x15000] =	vst v63  }
0x73: {  	s10 =	simm.s32 $0x1  }
0x74: {  	_ =	swait.ge [sflag:s10], $0x2000  }
0x75: {  	[sflag:s10] =	ssyncset.done $0x0  }
0x76: {  	[sflag:s10] =	ssyncadd.s32 $0xFFFFE000;
	s10 =	simm.s32 $0x2  }
0x77: {  	[tilespmem:s9], [sflag:$0x9] =	stream.indirect.gather.add.f32 [hbm:s1], $0x80, s28, s7, $0xb8;
	[tilespmem:$0x15000] =	vst v63  }
0x78: {  	_ =	swait.ge [sflag:s10], $0x2000  }
0x79: {  	[sflag:s10] =	ssyncset.done $0x0  }
0x7a: {  	[sflag:s10] =	ssyncadd.s32 $0xFFFFE000;
	s10 =	simm.s32 $0x3  }
0x7b: {  	[tilespmem:s21], [sflag:$0xA] =	stream.indirect.gather.add.f32 [hbm:s1], $0x80, s25, s7, $0xb8;
	[tilespmem:$0x15000] =	vst v63  }
0x7c: {  	_ =	swait.ge [sflag:s10], $0x2000  }
0x7d: {  	[sflag:s10] =	ssyncset.done $0x0  }
0x7e: {  	[sflag:s10] =	ssyncadd.s32 $0xFFFFE000;
	s10 =	simm.s32 $0x4  }
0x7f: {  	[tilespmem:s17], [sflag:$0xB] =	stream.indirect.gather.add.f32 [hbm:s1], $0x80, s23, s7, $0xb8;
	[tilespmem:$0x15000] =	vst v63  }
0x80: {  	_ =	swait.ge [sflag:s10], $0x2000  }
0x81: {  	[sflag:s10] =	ssyncset.done $0x0  }
0x82: {  	[sflag:s10] =	ssyncadd.s32 $0xFFFFE000;
	s10 =	simm.s32 $0x5  }
0x83: {  	[tilespmem:s22], [sflag:$0xC] =	stream.indirect.gather.add.f32 [hbm:s1], $0x80, s24, s7, $0xb8;
	[tilespmem:$0x15000] =	vst v63  }
0x84: {  	_ =	swait.ge [sflag:s10], $0x2000  }
0x85: {  	[sflag:s10] =	ssyncset.done $0x0  }
0x86: {  	[sflag:s10] =	ssyncadd.s32 $0xFFFFE000;
	s10 =	simm.s32 $0x6  }
0x87: {  	[tilespmem:s19], [sflag:$0xD] =	stream.indirect.gather.add.f32 [hbm:s1], $0x80, s3, s7, $0xb8;
	[tilespmem:$0x15000] =	vst v63  }
0x88: {  	_ =	swait.ge [sflag:s10], $0x2000  }
0x89: {  	[sflag:s10] =	ssyncset.done $0x0  }
0x8a: {  	[sflag:s10] =	ssyncadd.s32 $0xFFFFE000;
	s10 =	simm.s32 $0x7  }
0x8b: {  	[tilespmem:s18], [sflag:$0xE] =	stream.indirect.gather.add.f32 [hbm:s1], $0x80, s0, s7, $0xb8;
	[tilespmem:$0x15000] =	vst v63  }
0x8c: {  	_ =	swait.ge [sflag:s10], $0x2000  }
0x8d: {  	[sflag:s10] =	ssyncset.done $0x0  }
0x8e: {  	[sflag:s10] =	ssyncadd.s32 $0xFFFFE000;
	s10 =	simm.s32 $0x8  }
0x8f: {  	[tilespmem:s20], [sflag:$0xF] =	stream.indirect.gather.add.f32 [hbm:s1], $0x80, s31, s7, $0xb8;
	[tilespmem:$0x15000] =	vst v63  }
0x90: {  	_ =	swait.ge [sflag:s10], $0x2000  }
0x91: {  	[sflag:s10] =	ssyncset.done $0x0  }
0x92: {  	[sflag:s10] =	ssyncadd.s32 $0xFFFFE000;
	s10 =	sshll.u32 s30, $0x6;
	s30 =	simm.s32 $0x9  }
0x93: {  	[tilespmem:s11], [sflag:$0x10] =	stream.indirect.gather.add.f32 [hbm:s1], $0x80, s10, s7, $0xb8;
	[tilespmem:$0x15000] =	vst v63  }
0x94: {  	_ =	swait.ge [sflag:s30], $0x2000  }
0x95: {  	[sflag:s30] =	ssyncset.done $0x0  }
0x96: {  	[sflag:s30] =	ssyncadd.s32 $0xFFFFE000  }
0x97: {  	[hbm4b:s29+s5] =	stream.linear.scatter [tilespmem:s9], [sflag:$0x11], $0x2000, $0x38;
	[tilespmem:$0x15000] =	vst v63  }
0x98: {  	s9 =	simm.s32 $0xA  }
0x99: {  	s30 =	sadd.s32 s6, s25;
	_ =	swait.ge [sflag:s9], $0x2000  }
0x9a: {  	s25 =	sshll.u32 s30, $0x4;
	[sflag:s9] =	ssyncset.done $0x0  }
0x9b: {  	s25 =	sadd.s32 s2, s25;
	[sflag:s9] =	ssyncadd.s32 $0xFFFFE000  }
0x9c: {  	[hbm4b:s25+s5] =	stream.linear.scatter [tilespmem:s21], [sflag:$0x12], $0x2000, $0x38;
	[tilespmem:$0x15000] =	vst v63  }
0x9d: {  	s25 =	simm.s32 $0xB  }
0x9e: {  	s30 =	sadd.s32 s6, s23;
	_ =	swait.ge [sflag:s25], $0x2000  }
0x9f: {  	s23 =	sshll.u32 s30, $0x4;
	[sflag:s25] =	ssyncset.done $0x0  }
0xa0: {  	s23 =	sadd.s32 s2, s23;
	[sflag:s25] =	ssyncadd.s32 $0xFFFFE000  }
0xa1: {  	[hbm4b:s23+s5] =	stream.linear.scatter [tilespmem:s17], [sflag:$0x13], $0x2000, $0x38;
	[tilespmem:$0x15000] =	vst v63  }
0xa2: {  	s17 =	simm.s32 $0xC  }
0xa3: {  	s21 =	sadd.s32 s6, s24;
	_ =	swait.ge [sflag:s17], $0x2000  }
0xa4: {  	s23 =	sshll.u32 s21, $0x4;
	[sflag:s17] =	ssyncset.done $0x0  }
0xa5: {  	s23 =	sadd.s32 s2, s23;
	[sflag:s17] =	ssyncadd.s32 $0xFFFFE000  }
0xa6: {  	[hbm4b:s23+s5] =	stream.linear.scatter [tilespmem:s22], [sflag:$0x14], $0x2000, $0x38;
	[tilespmem:$0x15000] =	vst v63  }
0xa7: {  	s24 =	sadd.s32 s6, s3;
	_ =	swait.ge [sflag:s12], $0x2000  }
0xa8: {  	s26 =	sadd.s32 $0x40000, s26;
	s3 =	sshll.u32 s24, $0x4;
	[sflag:s12] =	ssyncset.done $0x0  }
0xa9: {  	s8 =	sadd.s32 $0x8, s8;
	s3 =	sadd.s32 s2, s3;
	[sflag:s12] =	ssyncadd.s32 $0xFFFFE000  }
0xaa: {  	[hbm4b:s3+s5] =	stream.linear.scatter [tilespmem:s19], [sflag:$0x15], $0x2000, $0x38;
	[tilespmem:$0x15000] =	vst v63  }
0xab: {  	s16 =	sadd.s32 $0x200, s16;
	s25 =	sadd.s32 s6, s0;
	_ =	swait.ge [sflag:s13], $0x2000  }
0xac: {  	p0 =	sne.s32 s26, $0x230000;
	s0 =	sshll.u32 s25, $0x4;
	[sflag:s13] =	ssyncset.done $0x0  }
0xad: {  	s28 =	sadd.s32 $0x200, s28;
	s0 =	sadd.s32 s2, s0;
	[sflag:s13] =	ssyncadd.s32 $0xFFFFE000  }
0xae: {  	[hbm4b:s0+s5] =	stream.linear.scatter [tilespmem:s18], [sflag:$0x16], $0x2000, $0x38;
	[tilespmem:$0x15000] =	vst v63  }
0xaf: {  	s29 =	sadd.s32 $0x2000, s29;
	s30 =	sadd.s32 s6, s31;
	_ =	swait.ge [sflag:s14], $0x2000  }
0xb0: {  	s31 =	sadd.s32 s6, s10;
	s0 =	sshll.u32 s30, $0x4;
	[sflag:s14] =	ssyncset.done $0x0  }
0xb1: {  	s9 =	simm.s32 $0x3000;
	s0 =	sadd.s32 s2, s0;
	[sflag:s14] =	ssyncadd.s32 $0xFFFFE000  }
0xb2: {  	[hbm4b:s0+s5] =	stream.linear.scatter [tilespmem:s20], [sflag:$0x17], $0x2000, $0x38;
	[tilespmem:$0x15000] =	vst v63  }
.Ltmp3:
0xb3: {  	s21 =	simm.s32 $0x5000;
	s17 =	simm.s32 $0x7000;
	(pc) =	sbr.rel @!p0 .LBB2_6-.Ltmp3, $4  }
0xb4: {  	s23 =	simm.s32 $0x1000;
	s22 =	simm.s32 $0x9000;
	_ =	swait.ge [sflag:s15], $0x2000  }
0xb5: {  	s19 =	simm.s32 $0xB000;
	s0 =	sshll.u32 s31, $0x4;
	[sflag:s15] =	ssyncset.done $0x0  }
0xb6: {  	s18 =	simm.s32 $0xD000;
	s0 =	sadd.s32 s2, s0;
	[sflag:s15] =	ssyncadd.s32 $0xFFFFE000  }
0xb7: {  	[hbm4b:s0+s5] =	stream.linear.scatter [tilespmem:s11], [sflag:$0x18], $0x2000, $0x38;
	[tilespmem:$0x15000] =	vst v63  }
.LBB2_2:
0xb8: {  	p0 =	sne.s32 s26, $0x30000  }
.Ltmp4:
0xb9: {  	_ = 	snop;
	(pc) =	sbr.rel @p0 .LBB2_4-.Ltmp4, $1  }
0xba: {  	_ =	sdelay $0x3  }
0xbb: {  	[tilespmem:s23], [sflag:$0x1] =	stream.linear.gather [spmem:s4], $0x2000, $0x38;
	[tilespmem:$0x15000] =	vst v63  }
0xbc: {  	s0 =	rddreg [dreg:$0xa]  }
0xbd: {  	s20 =	rddreg [dreg:$0xb]  }
0xbe: {  	s23 =	rddreg [dreg:$0xd]  }
0xbf: {  	s24 =	rddreg [dreg:$0xe]  }
0xc0: {  	[tilespmem:s9], [sflag:$0x2] =	stream.linear.gather [spmem:s0], $0x2000, $0x38;
	[tilespmem:$0x15000] =	vst v63  }
0xc1: {  	s25 =	rddreg [dreg:$0xf];
	s31 =	simm.s32 $0x180  }
0xc2: {  	[tilespmem:s21], [sflag:$0x3] =	stream.linear.gather [spmem:s20], $0x2000, $0x38;
	[tilespmem:$0x15000] =	vst v63  }
0xc3: {  	s3 =	simm.s32 $0x100;
	s30 =	simm.s32 $0x7;
	s21 =	rddreg [dreg:$0xc]  }
0xc4: {  	[tilespmem:s17], [sflag:$0x4] =	stream.linear.gather [spmem:s21], $0x2000, $0x38;
	[tilespmem:$0x15000] =	vst v63  }
0xc5: {  	s0 =	simm.s32 $0x140;
	s9 =	simm.s32 $0x1000;
	s20 =	simm.s32 $0xD000  }
0xc6: {  	[tilespmem:s22], [sflag:$0x5] =	stream.linear.gather [spmem:s23], $0x2000, $0x38;
	[tilespmem:$0x15000] =	vst v63  }
.Ltmp5:
0xc7: {  	s17 =	simm.s32 $0x5000;
	s21 =	simm.s32 $0x3000;
	(pc) =	sbr.rel .LBB2_5-.Ltmp5, $4  }
0xc8: {  	[tilespmem:s19], [sflag:$0x6] =	stream.linear.gather [spmem:s24], $0x2000, $0x38;
	[tilespmem:$0x15000] =	vst v63  }
0xc9: {  	s23 =	simm.s32 $0x80;
	s22 =	simm.s32 $0x7000;
	s24 =	simm.s32 $0xC0  }
0xca: {  	[tilespmem:s18], [sflag:$0x7] =	stream.linear.gather [spmem:s25], $0x2000, $0x38;
	[tilespmem:$0x15000] =	vst v63  }
0xcb: {  	s19 =	simm.s32 $0x9000;
	s25 =	simm.s32 $0x40;
	s18 =	simm.s32 $0xB000  }
.LBB2_7:
0xcc: {  	_ =	sfence.sel $0x180000  }
0xcd: {  	[bflag:$0x0] =	sbarrier.arrive $0xFFFF  }
0xce: {  	_ =	strace $0x90000047  }
0xcf: {  	s0 =	stileid.u32;
	[bflag:$0x2] =	sbarrier.arrive $0xFFFF  }
0xd0: {  	p0 =	sne.s32 s0, $0x0;
	s0 =	rddreg [dreg:$0x5]  }
0xd1: {  	s0 =	sadd.s32 @!p0 $0x100000, s0  }
0xd2: {  	[sflag:s0] =	ssyncadd.tile.s32 @!p0 $0x1;
	_ =	shalt  }
.Lfunc_end2:
_tile_overlayer_lowered:
.L_overlay_start_2:
0xd3: {  	(tag) =	ssettag $0x2  }
0xd4: {  	s0 =	rddreg [dreg:$0x0];
	s2 =	stileid.u32  }
0xd5: {  	s1 =	rddreg [dreg:$0x1];
	p0 =	sne.s32 s2, $0x0  }
0xd6: {  	s3 =	rddreg [dreg:$0x2];
	[bflag:$0x3] =	sbarrier.arrive $0xFFFF;
	s2 =	simm.s32 @!p0 $0x1C19  }
0xd7: {  	[timem:s3], [sflag:s2] =	dma.local @!p0 [hbm:s0], s1  }
0xd8: {  	s0 =	simm.s32 @!p0 $0x19  }
0xd9: {  	_ =	swait.ge @!p0 [sflag:s0], s1  }
0xda: {  	s1 =	ssub.s32 @!p0 $0x0, s1;
	[sflag:s0] =	ssyncset.done @!p0 $0x0  }
0xdb: {  	[sflag:s0] =	ssyncadd.s32 @!p0 s1  }
0xdc: {  	[bflag:$0x3] =	sbarrier.arrive $0xFFFF  }
0xdd: {  	_ =	shalt  }

</sc_bundles>
